<compile_context>
chip_gen: v7x
topology: tpu7x:2x2x1
jax: 0.10.2.dev20260603
libtpu: 0.0.44.dev20260713+nightly
codegen_flags: <defaults>
</compile_context>

<pallas_src>
import jax
import jax.numpy as jnp
from jax import lax
from jax.experimental import pallas as pl
from jax.experimental.pallas import tpu as pltpu
from jax.experimental.pallas import tpu_sc as plsc

EMB = 16
CONT = 13
NCAT = 26
NTOK = 1 + CONT + NCAT
B = 16384
NC = 2
NS = 16
NW = NC * NS
ROWS_PER_W = B // NW
R = 32
NCHUNK = ROWS_PER_W // R
IDX_PER_CHUNK = R * NCAT
NGATHER = IDX_PER_CHUNK // 16


def _body(idx_hbm, xc_hbm, wb_hbm, table_hbm, out_hbm,
          idx_v, xc_v, gath_v, out_v, wb_v, sem):
    wid = lax.axis_index("s") * NC + lax.axis_index("c")
    pltpu.sync_copy(wb_hbm, wb_v)

    def chunk(g, carry):
        base = wid * ROWS_PER_W + g * R
        irow = (wid * NCHUNK + g) * NGATHER
        pltpu.sync_copy(idx_hbm.at[pl.ds(irow, NGATHER)], idx_v)
        pltpu.sync_copy(xc_hbm.at[pl.ds(base, R)], xc_v)

        def fire(j, c2):
            for u in range(4):
                v16 = idx_v[j * 4 + u, :]
                pltpu.async_copy(
                    table_hbm.at[v16],
                    gath_v.at[pl.ds((j * 4 + u) * 16, 16)],
                    sem,
                )
            return c2

        lax.fori_loop(0, NGATHER // 4, fire, 0)

        def drain(j, c2):
            pltpu.make_async_copy(table_hbm.at[pl.ds(0, 16)],
                                  gath_v.at[pl.ds(0, 16)], sem).wait()
            return c2

        lax.fori_loop(0, NGATHER, drain, 0)

        def row(r, carry2):
            rq = r // 8
            rr = r % 8
            out_v[rq, 0, rr, pl.ds(0, 16)] = wb_v[0, :]
            xr = xc_v[r, :]
            for t in range(1, 1 + CONT):
                s = xr[t - 1]
                out_v[rq, t // 8, rr, pl.ds((t % 8) * 16, 16)] = (
                    wb_v[t, :] * s + wb_v[13 + t, :])
            for c in range(NCAT):
                t = 14 + c
                out_v[rq, t // 8, rr, pl.ds((t % 8) * 16, 16)] = (
                    gath_v[r * NCAT + c, :] + wb_v[27 + c, :])
            return carry2

        lax.fori_loop(0, R, row, 0)
        pltpu.sync_copy(out_v, out_hbm.at[pl.ds(wid * (ROWS_PER_W // 8)
                                                + g * (R // 8), R // 8)])
        return carry

    lax.fori_loop(0, NCHUNK, chunk, 0)


@jax.jit
def _tokenize(idx, xc_pad, wb, table):
    mesh = plsc.VectorSubcoreMesh(core_axis_name="c", subcore_axis_name="s")
    return pl.kernel(
        _body,
        out_type=jax.ShapeDtypeStruct((B // 8, 5, 8, 128), jnp.float32),
        mesh=mesh,
        scratch_types=[
            pltpu.VMEM((NGATHER, 16), jnp.int32),
            pltpu.VMEM((R, EMB), jnp.float32),
            pltpu.VMEM((IDX_PER_CHUNK, EMB), jnp.float32),
            pltpu.VMEM((R // 8, 5, 8, 128), jnp.float32),
            pltpu.VMEM((1 + CONT + CONT + NCAT, EMB), jnp.float32),
            pltpu.SemaphoreType.DMA,
        ],
        compiler_params=pltpu.CompilerParams(use_tc_tiling_on_sc=False),
    )(idx, xc_pad, wb, table)


def kernel(x, weight, bias, cat_weights):
    offsets = jnp.arange(NCAT, dtype=jnp.int32) * 100000
    idx = (x[:, :NCAT].astype(jnp.int32) + offsets[None]).reshape(-1, 16)
    xc_pad = jnp.concatenate(
        [x[:, NCAT:], jnp.zeros((B, EMB - CONT), jnp.float32)], axis=1)
    wb = jnp.concatenate([weight, bias], axis=0)
    t128 = lax.optimization_barrier(cat_weights.reshape(325000, 128))
    table = t128.reshape(2600000, EMB)
    out = _tokenize(idx, xc_pad, wb, table)
    return out.transpose(0, 2, 1, 3).reshape(B, NTOK * EMB)

# --- scband reference (transcript-rebuilt; emitter-appended) ---
"""Pipeline reference for scband-feature-tokenizer-20486994002382 (READ-ONLY COPY).

The authoritative reference and input builder live on the scoring server;
editing this copy changes nothing except your own understanding.
"""

import jax, jax.numpy as jnp
import numpy as np

EMB_DIM = 16
CONT = 13
NCAT = 26
CARD = [100000] * NCAT
B = 16384
TOTAL_ROWS = sum(CARD)


def setup_inputs(seed: int = 0) -> dict:
    key = jax.random.key(seed)
    k1, k2, k3, k4 = jax.random.split(key, 4)
    # x packs [cat indices (as floats) | continuous features]; fill=randint per spec
    x = jax.random.randint(k1, (B, NCAT + CONT), 0, 100000).astype(jnp.float32)
    weight = jax.random.normal(k2, (CONT + 1, EMB_DIM), dtype=jnp.float32) * 0.02
    bias = jax.random.normal(k3, (CONT + NCAT, EMB_DIM), dtype=jnp.float32) * 0.02
    cat_weights = jax.random.normal(k4, (TOTAL_ROWS, EMB_DIM), dtype=jnp.float32) * 0.02
    return {"x": x, "weight": weight, "bias": bias, "cat_weights": cat_weights}


def reference(x, weight, bias, cat_weights):
    offsets = jnp.cumsum(jnp.array([0] + CARD[:-1], dtype=jnp.int32))
    x_cats = x[:, :NCAT].astype(jnp.int32)
    x_conts = x[:, NCAT:]
    ones = jnp.ones((x.shape[0], 1), dtype=x.dtype)
    x_conts = jnp.concatenate([ones, x_conts], axis=1)  # [B, CONT+1]
    tok = weight[None] * x_conts[:, :, None]  # [B, CONT+1, EMB_DIM]
    cat_tok = jnp.take(cat_weights, x_cats + offsets[None], axis=0)  # [B, NCAT, EMB_DIM]
    tok = jnp.concatenate([tok, cat_tok], axis=1)  # [B, CONT+1+NCAT, EMB_DIM]
    bias_full = jnp.concatenate([jnp.zeros((1, EMB_DIM), dtype=bias.dtype), bias], axis=0)
    tok = tok + bias_full[None]
    flatten_dim = EMB_DIM * (CONT + NCAT + 1)
    return tok.reshape(-1, flatten_dim)

if __name__ == "__main__":
    import jax
    _d = setup_inputs()
    print(jax.jit(kernel)(*tuple(_d.values())))

</pallas_src>

<mosaic_0001>
#map = affine_map<(d0, d1) -> (0, 0)>
#map1 = affine_map<(d0, d1) -> (0, 0, 0, 0)>
module attributes {stable_mosaic.version = 14 : i64} {
  func.func @_body(%arg0: i32, %arg1: i32, %arg2: memref<26624x16xi32, #tpu.memory_space<hbm>>, %arg3: memref<16384x16xf32, #tpu.memory_space<hbm>>, %arg4: memref<53x16xf32, #tpu.memory_space<hbm>>, %arg5: memref<2600000x16xf32, #tpu.memory_space<hbm>>, %arg6: memref<2048x5x8x128xf32, #tpu.memory_space<hbm>>, %arg7: memref<52x16xi32, #tpu.memory_space<vmem>>, %arg8: memref<32x16xf32, #tpu.memory_space<vmem>>, %arg9: memref<832x16xf32, #tpu.memory_space<vmem>>, %arg10: memref<4x5x8x128xf32, #tpu.memory_space<vmem>>, %arg11: memref<53x16xf32, #tpu.memory_space<vmem>>, %arg12: memref<!tpu.dma_semaphore, #tpu.memory_space<semaphore_mem>>) attributes {dimension_semantics = [#tpu.dimension_semantics<core_parallel>, #tpu.dimension_semantics<subcore_parallel>], iteration_bounds = array<i64: 2, 16>, scalar_prefetch = 0 : i64, scratch_operands = 6 : i64, tpu.core_type = #tpu.core_type<sc_vector_subcore>, window_params = [{transform_indices = #map}, {transform_indices = #map}, {transform_indices = #map}, {transform_indices = #map}, {transform_indices = #map1}]} {
    %mul3A = arith.constant 2 : i32
    %mul3A_0 = arith.muli %arg1, %mul3A : i32
    %add3A = arith.addi %mul3A_0, %arg0 : i32
    "tpu.region"() ({
      %run_scoped3A = tpu.sem_alloc : memref<!tpu.dma_semaphore, #tpu.memory_space<semaphore_mem>>
      tpu.enqueue_dma source(%arg4 : memref<53x16xf32, #tpu.memory_space<hbm>>) target(%arg11 : memref<53x16xf32, #tpu.memory_space<vmem>>) target_semaphore(%run_scoped3A : memref<!tpu.dma_semaphore, #tpu.memory_space<semaphore_mem>>)
      tpu.wait_dma2 semaphore(%run_scoped3A : memref<!tpu.dma_semaphore, #tpu.memory_space<semaphore_mem>>) src(%arg4 : memref<53x16xf32, #tpu.memory_space<hbm>>) dst(%arg11 : memref<53x16xf32, #tpu.memory_space<vmem>>)
      tpu.yield
    }) : () -> ()
    %scan3A = arith.constant 0 : i32
    %scan3A_1 = arith.constant 0 : i32
    %scan3A_2 = arith.constant 16 : i32
    %scan3A_3 = arith.addi %scan3A_1, %scan3A_2 : i32
    %scan3A_4 = arith.constant 1 : i32
    scf.for %scan3A_6 = %scan3A_1 to %scan3A_3 step %scan3A_4  : i32 {
      %mul3A_7 = arith.constant 512 : i32
      %mul3A_8 = arith.muli %add3A, %mul3A_7 : i32
      %mul3A_9 = arith.constant 32 : i32
      %mul3A_10 = arith.muli %scan3A_6, %mul3A_9 : i32
      %add3A_11 = arith.addi %mul3A_8, %mul3A_10 : i32
      %mul3A_12 = arith.constant 16 : i32
      %mul3A_13 = arith.muli %add3A, %mul3A_12 : i32
      %add3A_14 = arith.addi %mul3A_13, %scan3A_6 : i32
      %mul3A_15 = arith.constant 52 : i32
      %mul3A_16 = arith.muli %add3A_14, %mul3A_15 : i32
      "tpu.region"() ({
        %run_scoped3A = tpu.sem_alloc : memref<!tpu.dma_semaphore, #tpu.memory_space<semaphore_mem>>
        %dma_start3A = arith.constant 0 : i32
        %dma_start3A_40 = tpu.memref_slice %arg2[%mul3A_16, %dma_start3A] : memref<26624x16xi32, #tpu.memory_space<hbm>> -> memref<52x16xi32, #tpu.memory_space<hbm>>
        %dma_start3A_41 = arith.constant 0 : i32
        %dma_start3A_42 = tpu.memref_slice %arg2[%mul3A_16, %dma_start3A_41] : memref<26624x16xi32, #tpu.memory_space<hbm>> -> memref<52x16xi32, #tpu.memory_space<hbm>>
        tpu.enqueue_dma source(%dma_start3A_42 : memref<52x16xi32, #tpu.memory_space<hbm>>) target(%arg7 : memref<52x16xi32, #tpu.memory_space<vmem>>) target_semaphore(%run_scoped3A : memref<!tpu.dma_semaphore, #tpu.memory_space<semaphore_mem>>)
        %dma_wait3A = arith.constant 0 : i32
        %dma_wait3A_43 = tpu.memref_slice %arg2[%mul3A_16, %dma_wait3A] : memref<26624x16xi32, #tpu.memory_space<hbm>> -> memref<52x16xi32, #tpu.memory_space<hbm>>
        %dma_wait3A_44 = arith.constant 0 : i32
        %dma_wait3A_45 = tpu.memref_slice %arg2[%mul3A_16, %dma_wait3A_44] : memref<26624x16xi32, #tpu.memory_space<hbm>> -> memref<52x16xi32, #tpu.memory_space<hbm>>
        tpu.wait_dma2 semaphore(%run_scoped3A : memref<!tpu.dma_semaphore, #tpu.memory_space<semaphore_mem>>) src(%dma_wait3A_45 : memref<52x16xi32, #tpu.memory_space<hbm>>) dst(%arg7 : memref<52x16xi32, #tpu.memory_space<vmem>>)
        tpu.yield
      }) : () -> ()
      "tpu.region"() ({
        %run_scoped3A = tpu.sem_alloc : memref<!tpu.dma_semaphore, #tpu.memory_space<semaphore_mem>>
        %dma_start3A = arith.constant 0 : i32
        %dma_start3A_40 = tpu.memref_slice %arg3[%add3A_11, %dma_start3A] : memref<16384x16xf32, #tpu.memory_space<hbm>> -> memref<32x16xf32, #tpu.memory_space<hbm>>
        %dma_start3A_41 = arith.constant 0 : i32
        %dma_start3A_42 = tpu.memref_slice %arg3[%add3A_11, %dma_start3A_41] : memref<16384x16xf32, #tpu.memory_space<hbm>> -> memref<32x16xf32, #tpu.memory_space<hbm>>
        tpu.enqueue_dma source(%dma_start3A_42 : memref<32x16xf32, #tpu.memory_space<hbm>>) target(%arg8 : memref<32x16xf32, #tpu.memory_space<vmem>>) target_semaphore(%run_scoped3A : memref<!tpu.dma_semaphore, #tpu.memory_space<semaphore_mem>>)
        %dma_wait3A = arith.constant 0 : i32
        %dma_wait3A_43 = tpu.memref_slice %arg3[%add3A_11, %dma_wait3A] : memref<16384x16xf32, #tpu.memory_space<hbm>> -> memref<32x16xf32, #tpu.memory_space<hbm>>
        %dma_wait3A_44 = arith.constant 0 : i32
        %dma_wait3A_45 = tpu.memref_slice %arg3[%add3A_11, %dma_wait3A_44] : memref<16384x16xf32, #tpu.memory_space<hbm>> -> memref<32x16xf32, #tpu.memory_space<hbm>>
        tpu.wait_dma2 semaphore(%run_scoped3A : memref<!tpu.dma_semaphore, #tpu.memory_space<semaphore_mem>>) src(%dma_wait3A_45 : memref<32x16xf32, #tpu.memory_space<hbm>>) dst(%arg8 : memref<32x16xf32, #tpu.memory_space<vmem>>)
        tpu.yield
      }) : () -> ()
      %scan3A_17 = arith.constant 0 : i32
      %scan3A_18 = arith.constant 0 : i32
      %scan3A_19 = arith.constant 13 : i32
      %scan3A_20 = arith.addi %scan3A_18, %scan3A_19 : i32
      %scan3A_21 = arith.constant 1 : i32
      scf.for %scan3A_40 = %scan3A_18 to %scan3A_20 step %scan3A_21  : i32 {
        %mul3A_41 = arith.constant 4 : i32
        %mul3A_42 = arith.muli %scan3A_40, %mul3A_41 : i32
        %add3A_43 = arith.constant 0 : i32
        %add3A_44 = arith.addi %mul3A_42, %add3A_43 : i32
        %get3A = arith.index_cast %add3A_44 : i32 to index
        %get3A_45 = arith.constant 0 : index
        %get3A_46 = tpu.vector_load %arg7[%get3A, %get3A_45] {strides = array<i32>} : memref<52x16xi32, #tpu.memory_space<vmem>>, vector<1x16xi32>,
        %get3A_47 = vector.shape_cast %get3A_46 : vector<1x16xi32> to vector<16xi32>
        %mul3A_48 = arith.constant 4 : i32
        %mul3A_49 = arith.muli %scan3A_40, %mul3A_48 : i32
        %add3A_50 = arith.constant 0 : i32
        %add3A_51 = arith.addi %mul3A_49, %add3A_50 : i32
        %mul3A_52 = arith.constant 16 : i32
        %mul3A_53 = arith.muli %add3A_51, %mul3A_52 : i32
        %dma_start3A = arith.constant 0 : i32
        %dma_start3A_54 = tpu.memref_slice %arg9[%mul3A_53, %dma_start3A] : memref<832x16xf32, #tpu.memory_space<vmem>> -> memref<16x16xf32, #tpu.memory_space<vmem>>
        %dma_start3A_55 = arith.constant 0 : i32
        %dma_start3A_56 = arith.constant 0 : i32
        %dma_start3A_57 = tpu.memref_slice %arg5[%dma_start3A_55, %dma_start3A_56] : memref<2600000x16xf32, #tpu.memory_space<hbm>> -> memref<2600000x16xf32, #tpu.memory_space<hbm>>
        tpu.enqueue_indirect_dma source(%dma_start3A_57 : memref<2600000x16xf32, #tpu.memory_space<hbm>>) target(%dma_start3A_54 : memref<16x16xf32, #tpu.memory_space<vmem>>) offsets(%get3A_47 : vector<16xi32>) semaphore(%arg12 : memref<!tpu.dma_semaphore, #tpu.memory_space<semaphore_mem>>)
        %mul3A_58 = arith.constant 4 : i32
        %mul3A_59 = arith.muli %scan3A_40, %mul3A_58 : i32
        %add3A_60 = arith.constant 1 : i32
        %add3A_61 = arith.addi %mul3A_59, %add3A_60 : i32
        %get3A_62 = arith.index_cast %add3A_61 : i32 to index
        %get3A_63 = arith.constant 0 : index
        %get3A_64 = tpu.vector_load %arg7[%get3A_62, %get3A_63] {strides = array<i32>} : memref<52x16xi32, #tpu.memory_space<vmem>>, vector<1x16xi32>,
        %get3A_65 = vector.shape_cast %get3A_64 : vector<1x16xi32> to vector<16xi32>
        %mul3A_66 = arith.constant 4 : i32
        %mul3A_67 = arith.muli %scan3A_40, %mul3A_66 : i32
        %add3A_68 = arith.constant 1 : i32
        %add3A_69 = arith.addi %mul3A_67, %add3A_68 : i32
        %mul3A_70 = arith.constant 16 : i32
        %mul3A_71 = arith.muli %add3A_69, %mul3A_70 : i32
        %dma_start3A_72 = arith.constant 0 : i32
        %dma_start3A_73 = tpu.memref_slice %arg9[%mul3A_71, %dma_start3A_72] : memref<832x16xf32, #tpu.memory_space<vmem>> -> memref<16x16xf32, #tpu.memory_space<vmem>>
        %dma_start3A_74 = arith.constant 0 : i32
        %dma_start3A_75 = arith.constant 0 : i32
        %dma_start3A_76 = tpu.memref_slice %arg5[%dma_start3A_74, %dma_start3A_75] : memref<2600000x16xf32, #tpu.memory_space<hbm>> -> memref<2600000x16xf32, #tpu.memory_space<hbm>>
        tpu.enqueue_indirect_dma source(%dma_start3A_76 : memref<2600000x16xf32, #tpu.memory_space<hbm>>) target(%dma_start3A_73 : memref<16x16xf32, #tpu.memory_space<vmem>>) offsets(%get3A_65 : vector<16xi32>) semaphore(%arg12 : memref<!tpu.dma_semaphore, #tpu.memory_space<semaphore_mem>>)
        %mul3A_77 = arith.constant 4 : i32
        %mul3A_78 = arith.muli %scan3A_40, %mul3A_77 : i32
        %add3A_79 = arith.constant 2 : i32
        %add3A_80 = arith.addi %mul3A_78, %add3A_79 : i32
        %get3A_81 = arith.index_cast %add3A_80 : i32 to index
        %get3A_82 = arith.constant 0 : index
        %get3A_83 = tpu.vector_load %arg7[%get3A_81, %get3A_82] {strides = array<i32>} : memref<52x16xi32, #tpu.memory_space<vmem>>, vector<1x16xi32>,
        %get3A_84 = vector.shape_cast %get3A_83 : vector<1x16xi32> to vector<16xi32>
        %mul3A_85 = arith.constant 4 : i32
        %mul3A_86 = arith.muli %scan3A_40, %mul3A_85 : i32
        %add3A_87 = arith.constant 2 : i32
        %add3A_88 = arith.addi %mul3A_86, %add3A_87 : i32
        %mul3A_89 = arith.constant 16 : i32
        %mul3A_90 = arith.muli %add3A_88, %mul3A_89 : i32
        %dma_start3A_91 = arith.constant 0 : i32
        %dma_start3A_92 = tpu.memref_slice %arg9[%mul3A_90, %dma_start3A_91] : memref<832x16xf32, #tpu.memory_space<vmem>> -> memref<16x16xf32, #tpu.memory_space<vmem>>
        %dma_start3A_93 = arith.constant 0 : i32
        %dma_start3A_94 = arith.constant 0 : i32
        %dma_start3A_95 = tpu.memref_slice %arg5[%dma_start3A_93, %dma_start3A_94] : memref<2600000x16xf32, #tpu.memory_space<hbm>> -> memref<2600000x16xf32, #tpu.memory_space<hbm>>
        tpu.enqueue_indirect_dma source(%dma_start3A_95 : memref<2600000x16xf32, #tpu.memory_space<hbm>>) target(%dma_start3A_92 : memref<16x16xf32, #tpu.memory_space<vmem>>) offsets(%get3A_84 : vector<16xi32>) semaphore(%arg12 : memref<!tpu.dma_semaphore, #tpu.memory_space<semaphore_mem>>)
        %mul3A_96 = arith.constant 4 : i32
        %mul3A_97 = arith.muli %scan3A_40, %mul3A_96 : i32
        %add3A_98 = arith.constant 3 : i32
        %add3A_99 = arith.addi %mul3A_97, %add3A_98 : i32
        %get3A_100 = arith.index_cast %add3A_99 : i32 to index
        %get3A_101 = arith.constant 0 : index
        %get3A_102 = tpu.vector_load %arg7[%get3A_100, %get3A_101] {strides = array<i32>} : memref<52x16xi32, #tpu.memory_space<vmem>>, vector<1x16xi32>,
        %get3A_103 = vector.shape_cast %get3A_102 : vector<1x16xi32> to vector<16xi32>
        %mul3A_104 = arith.constant 4 : i32
        %mul3A_105 = arith.muli %scan3A_40, %mul3A_104 : i32
        %add3A_106 = arith.constant 3 : i32
        %add3A_107 = arith.addi %mul3A_105, %add3A_106 : i32
        %mul3A_108 = arith.constant 16 : i32
        %mul3A_109 = arith.muli %add3A_107, %mul3A_108 : i32
        %dma_start3A_110 = arith.constant 0 : i32
        %dma_start3A_111 = tpu.memref_slice %arg9[%mul3A_109, %dma_start3A_110] : memref<832x16xf32, #tpu.memory_space<vmem>> -> memref<16x16xf32, #tpu.memory_space<vmem>>
        %dma_start3A_112 = arith.constant 0 : i32
        %dma_start3A_113 = arith.constant 0 : i32
        %dma_start3A_114 = tpu.memref_slice %arg5[%dma_start3A_112, %dma_start3A_113] : memref<2600000x16xf32, #tpu.memory_space<hbm>> -> memref<2600000x16xf32, #tpu.memory_space<hbm>>
        tpu.enqueue_indirect_dma source(%dma_start3A_114 : memref<2600000x16xf32, #tpu.memory_space<hbm>>) target(%dma_start3A_111 : memref<16x16xf32, #tpu.memory_space<vmem>>) offsets(%get3A_103 : vector<16xi32>) semaphore(%arg12 : memref<!tpu.dma_semaphore, #tpu.memory_space<semaphore_mem>>)
      }
      %scan3A_22 = arith.constant 13 : i32
      %scan3A_23 = arith.constant 0 : i32
      %scan3A_24 = arith.constant 0 : i32
      %scan3A_25 = arith.constant 52 : i32
      %scan3A_26 = arith.addi %scan3A_24, %scan3A_25 : i32
      %scan3A_27 = arith.constant 1 : i32
      scf.for %scan3A_40 = %scan3A_24 to %scan3A_26 step %scan3A_27  : i32 {
        %dma_wait3A = arith.constant 0 : i32
        %dma_wait3A_41 = arith.constant 0 : i32
        %dma_wait3A_42 = tpu.memref_slice %arg9[%dma_wait3A, %dma_wait3A_41] : memref<832x16xf32, #tpu.memory_space<vmem>> -> memref<16x16xf32, #tpu.memory_space<vmem>>
        %dma_wait3A_43 = arith.constant 0 : i32
        %dma_wait3A_44 = arith.constant 0 : i32
        %dma_wait3A_45 = tpu.memref_slice %arg5[%dma_wait3A_43, %dma_wait3A_44] : memref<2600000x16xf32, #tpu.memory_space<hbm>> -> memref<16x16xf32, #tpu.memory_space<hbm>>
        %dma_wait3A_46 = arith.constant 0 : i32
        %dma_wait3A_47 = arith.constant 0 : i32
        %dma_wait3A_48 = tpu.memref_slice %arg9[%dma_wait3A_46, %dma_wait3A_47] : memref<832x16xf32, #tpu.memory_space<vmem>> -> memref<16x16xf32, #tpu.memory_space<vmem>>
        %dma_wait3A_49 = arith.constant 0 : i32
        %dma_wait3A_50 = arith.constant 0 : i32
        %dma_wait3A_51 = tpu.memref_slice %arg5[%dma_wait3A_49, %dma_wait3A_50] : memref<2600000x16xf32, #tpu.memory_space<hbm>> -> memref<16x16xf32, #tpu.memory_space<hbm>>
        tpu.wait_dma2 semaphore(%arg12 : memref<!tpu.dma_semaphore, #tpu.memory_space<semaphore_mem>>) src(%dma_wait3A_51 : memref<16x16xf32, #tpu.memory_space<hbm>>) dst(%dma_wait3A_48 : memref<16x16xf32, #tpu.memory_space<vmem>>)
      }
      %scan3A_28 = arith.constant 52 : i32
      %scan3A_29 = arith.constant 0 : i32
      %scan3A_30 = arith.constant 0 : i32
      %scan3A_31 = arith.constant 32 : i32
      %scan3A_32 = arith.addi %scan3A_30, %scan3A_31 : i32
      %scan3A_33 = arith.constant 1 : i32
      scf.for %scan3A_40 = %scan3A_30 to %scan3A_32 step %scan3A_33  : i32 {
        %jit3A = arith.constant 8 : i32
        %div3A = arith.divsi %scan3A_40, %jit3A : i32
        %sign3A = arith.constant 0 : i32
        %sign3A_41 = arith.cmpi sgt, %scan3A_40, %sign3A : i32
        %sign3A_42 = arith.extui %sign3A_41 : i1 to i32
        %sign3A_43 = arith.constant 0 : i32
        %sign3A_44 = arith.cmpi slt, %scan3A_40, %sign3A_43 : i32
        %sign3A_45 = arith.extui %sign3A_44 : i1 to i32
        %sign3A_46 = arith.subi %sign3A_42, %sign3A_45 : i32
        %sign3A_47 = arith.constant 0 : i32
        %sign3A_48 = arith.cmpi sgt, %jit3A, %sign3A_47 : i32
        %sign3A_49 = arith.extui %sign3A_48 : i1 to i32
        %sign3A_50 = arith.constant 0 : i32
        %sign3A_51 = arith.cmpi slt, %jit3A, %sign3A_50 : i32
        %sign3A_52 = arith.extui %sign3A_51 : i1 to i32
        %sign3A_53 = arith.subi %sign3A_49, %sign3A_52 : i32
        %ne3A = arith.cmpi ne, %sign3A_46, %sign3A_53 : i32
        %rem3A = arith.remsi %scan3A_40, %jit3A : i32
        %ne3A_54 = arith.constant 0 : i32
        %ne3A_55 = arith.cmpi ne, %rem3A, %ne3A_54 : i32
        %and3A = arith.andi %ne3A, %ne3A_55 : i1
        %sub3A = arith.constant 1 : i32
        %sub3A_56 = arith.subi %div3A, %sub3A : i32
        %select_n3A = arith.select %and3A, %sub3A_56, %div3A : i32
        %jit3A_57 = arith.constant 8 : i32
        %eq3A = arith.constant 0 : i32
        %eq3A_58 = arith.cmpi eq, %jit3A_57, %eq3A : i32
        %jit3A_59 = arith.constant 1 : i32
        %select_n3A_60 = arith.select %eq3A_58, %jit3A_59, %jit3A_57 : i32
        %rem3A_61 = arith.remsi %scan3A_40, %select_n3A_60 : i32
        %ne3A_62 = arith.constant 0 : i32
        %ne3A_63 = arith.cmpi ne, %rem3A_61, %ne3A_62 : i32
        %lt3A = arith.constant 0 : i32
        %lt3A_64 = arith.cmpi slt, %rem3A_61, %lt3A : i32
        %lt3A_65 = arith.constant 0 : i32
        %lt3A_66 = arith.cmpi slt, %select_n3A_60, %lt3A_65 : i32
        %ne3A_67 = arith.xori %lt3A_64, %lt3A_66 : i1
        %and3A_68 = arith.andi %ne3A_67, %ne3A_63 : i1
        %add3A_69 = arith.addi %rem3A_61, %select_n3A_60 : i32
        %select_n3A_70 = arith.select %and3A_68, %add3A_69, %rem3A_61 : i32
        %get3A = arith.constant 0 : i32
        %get3A_71 = arith.index_cast %get3A : i32 to index
        %get3A_72 = arith.constant 0 : index
        %get3A_73 = tpu.vector_load %arg11[%get3A_71, %get3A_72] {strides = array<i32>} : memref<53x16xf32, #tpu.memory_space<vmem>>, vector<1x16xf32>,
        %get3A_74 = vector.shape_cast %get3A_73 : vector<1x16xf32> to vector<16xf32>
        %swap3A = arith.constant 0 : i32
        %swap3A_75 = arith.index_cast %select_n3A : i32 to index
        %swap3A_76 = arith.index_cast %swap3A : i32 to index
        %swap3A_77 = arith.index_cast %select_n3A_70 : i32 to index
        %swap3A_78 = arith.constant 0 : index
        %swap3A_79 = tpu.vector_load %arg10[%swap3A_75, %swap3A_76, %swap3A_77, %swap3A_78] {strides = array<i32>} : memref<4x5x8x128xf32, #tpu.memory_space<vmem>>, vector<1x1x1x16xf32>,
        %swap3A_80 = vector.shape_cast %swap3A_79 : vector<1x1x1x16xf32> to vector<16xf32>
        %swap3A_81 = vector.shape_cast %get3A_74 : vector<16xf32> to vector<1x1x1x16xf32>
        tpu.vector_store %arg10[%swap3A_75, %swap3A_76, %swap3A_77, %swap3A_78], %swap3A_81 {strides = array<i32>} : memref<4x5x8x128xf32, #tpu.memory_space<vmem>>, vector<1x1x1x16xf32>,
        %get3A_82 = arith.index_cast %scan3A_40 : i32 to index
        %get3A_83 = arith.constant 0 : index
        %get3A_84 = tpu.vector_load %arg8[%get3A_82, %get3A_83] {strides = array<i32>} : memref<32x16xf32, #tpu.memory_space<vmem>>, vector<1x16xf32>,
        %get3A_85 = vector.shape_cast %get3A_84 : vector<1x16xf32> to vector<16xf32>
        %slice3A = vector.extract_strided_slice %get3A_85 {offsets = [0], sizes = [1], strides = [1]} : vector<16xf32> to vector<1xf32>
        %squeeze3A = vector.extract %slice3A[0] : f32 from vector<1xf32>
        %get3A_86 = arith.constant 1 : i32
        %get3A_87 = arith.index_cast %get3A_86 : i32 to index
        %get3A_88 = arith.constant 0 : index
        %get3A_89 = tpu.vector_load %arg11[%get3A_87, %get3A_88] {strides = array<i32>} : memref<53x16xf32, #tpu.memory_space<vmem>>, vector<1x16xf32>,
        %get3A_90 = vector.shape_cast %get3A_89 : vector<1x16xf32> to vector<16xf32>
        %mul3A_91 = vector.broadcast %squeeze3A : f32 to vector<16xf32>
        %mul3A_92 = arith.mulf %get3A_90, %mul3A_91 : vector<16xf32>
        %get3A_93 = arith.constant 14 : i32
        %get3A_94 = arith.index_cast %get3A_93 : i32 to index
        %get3A_95 = arith.constant 0 : index
        %get3A_96 = tpu.vector_load %arg11[%get3A_94, %get3A_95] {strides = array<i32>} : memref<53x16xf32, #tpu.memory_space<vmem>>, vector<1x16xf32>,
        %get3A_97 = vector.shape_cast %get3A_96 : vector<1x16xf32> to vector<16xf32>
        %add3A_98 = arith.addf %mul3A_92, %get3A_97 : vector<16xf32>
        %swap3A_99 = arith.constant 0 : i32
        %swap3A_100 = arith.index_cast %select_n3A : i32 to index
        %swap3A_101 = arith.index_cast %swap3A_99 : i32 to index
        %swap3A_102 = arith.index_cast %select_n3A_70 : i32 to index
        %swap3A_103 = arith.constant 16 : index
        %swap3A_104 = tpu.vector_load %arg10[%swap3A_100, %swap3A_101, %swap3A_102, %swap3A_103] {strides = array<i32>} : memref<4x5x8x128xf32, #tpu.memory_space<vmem>>, vector<1x1x1x16xf32>,
        %swap3A_105 = vector.shape_cast %swap3A_104 : vector<1x1x1x16xf32> to vector<16xf32>
        %swap3A_106 = vector.shape_cast %add3A_98 : vector<16xf32> to vector<1x1x1x16xf32>
        tpu.vector_store %arg10[%swap3A_100, %swap3A_101, %swap3A_102, %swap3A_103], %swap3A_106 {strides = array<i32>} : memref<4x5x8x128xf32, #tpu.memory_space<vmem>>, vector<1x1x1x16xf32>,
        %slice3A_107 = vector.extract_strided_slice %get3A_85 {offsets = [1], sizes = [1], strides = [1]} : vector<16xf32> to vector<1xf32>
        %squeeze3A_108 = vector.extract %slice3A_107[0] : f32 from vector<1xf32>
        %get3A_109 = arith.constant 2 : i32
        %get3A_110 = arith.index_cast %get3A_109 : i32 to index
        %get3A_111 = arith.constant 0 : index
        %get3A_112 = tpu.vector_load %arg11[%get3A_110, %get3A_111] {strides = array<i32>} : memref<53x16xf32, #tpu.memory_space<vmem>>, vector<1x16xf32>,
        %get3A_113 = vector.shape_cast %get3A_112 : vector<1x16xf32> to vector<16xf32>
        %mul3A_114 = vector.broadcast %squeeze3A_108 : f32 to vector<16xf32>
        %mul3A_115 = arith.mulf %get3A_113, %mul3A_114 : vector<16xf32>
        %get3A_116 = arith.constant 15 : i32
        %get3A_117 = arith.index_cast %get3A_116 : i32 to index
        %get3A_118 = arith.constant 0 : index
        %get3A_119 = tpu.vector_load %arg11[%get3A_117, %get3A_118] {strides = array<i32>} : memref<53x16xf32, #tpu.memory_space<vmem>>, vector<1x16xf32>,
        %get3A_120 = vector.shape_cast %get3A_119 : vector<1x16xf32> to vector<16xf32>
        %add3A_121 = arith.addf %mul3A_115, %get3A_120 : vector<16xf32>
        %swap3A_122 = arith.constant 0 : i32
        %swap3A_123 = arith.index_cast %select_n3A : i32 to index
        %swap3A_124 = arith.index_cast %swap3A_122 : i32 to index
        %swap3A_125 = arith.index_cast %select_n3A_70 : i32 to index
        %swap3A_126 = arith.constant 32 : index
        %swap3A_127 = tpu.vector_load %arg10[%swap3A_123, %swap3A_124, %swap3A_125, %swap3A_126] {strides = array<i32>} : memref<4x5x8x128xf32, #tpu.memory_space<vmem>>, vector<1x1x1x16xf32>,
        %swap3A_128 = vector.shape_cast %swap3A_127 : vector<1x1x1x16xf32> to vector<16xf32>
        %swap3A_129 = vector.shape_cast %add3A_121 : vector<16xf32> to vector<1x1x1x16xf32>
        tpu.vector_store %arg10[%swap3A_123, %swap3A_124, %swap3A_125, %swap3A_126], %swap3A_129 {strides = array<i32>} : memref<4x5x8x128xf32, #tpu.memory_space<vmem>>, vector<1x1x1x16xf32>,
        %slice3A_130 = vector.extract_strided_slice %get3A_85 {offsets = [2], sizes = [1], strides = [1]} : vector<16xf32> to vector<1xf32>
        %squeeze3A_131 = vector.extract %slice3A_130[0] : f32 from vector<1xf32>
        %get3A_132 = arith.constant 3 : i32
        %get3A_133 = arith.index_cast %get3A_132 : i32 to index
        %get3A_134 = arith.constant 0 : index
        %get3A_135 = tpu.vector_load %arg11[%get3A_133, %get3A_134] {strides = array<i32>} : memref<53x16xf32, #tpu.memory_space<vmem>>, vector<1x16xf32>,
        %get3A_136 = vector.shape_cast %get3A_135 : vector<1x16xf32> to vector<16xf32>
        %mul3A_137 = vector.broadcast %squeeze3A_131 : f32 to vector<16xf32>
        %mul3A_138 = arith.mulf %get3A_136, %mul3A_137 : vector<16xf32>
        %get3A_139 = arith.constant 16 : i32
        %get3A_140 = arith.index_cast %get3A_139 : i32 to index
        %get3A_141 = arith.constant 0 : index
        %get3A_142 = tpu.vector_load %arg11[%get3A_140, %get3A_141] {strides = array<i32>} : memref<53x16xf32, #tpu.memory_space<vmem>>, vector<1x16xf32>,
        %get3A_143 = vector.shape_cast %get3A_142 : vector<1x16xf32> to vector<16xf32>
        %add3A_144 = arith.addf %mul3A_138, %get3A_143 : vector<16xf32>
        %swap3A_145 = arith.constant 0 : i32
        %swap3A_146 = arith.index_cast %select_n3A : i32 to index
        %swap3A_147 = arith.index_cast %swap3A_145 : i32 to index
        %swap3A_148 = arith.index_cast %select_n3A_70 : i32 to index
        %swap3A_149 = arith.constant 48 : index
        %swap3A_150 = tpu.vector_load %arg10[%swap3A_146, %swap3A_147, %swap3A_148, %swap3A_149] {strides = array<i32>} : memref<4x5x8x128xf32, #tpu.memory_space<vmem>>, vector<1x1x1x16xf32>,
        %swap3A_151 = vector.shape_cast %swap3A_150 : vector<1x1x1x16xf32> to vector<16xf32>
        %swap3A_152 = vector.shape_cast %add3A_144 : vector<16xf32> to vector<1x1x1x16xf32>
        tpu.vector_store %arg10[%swap3A_146, %swap3A_147, %swap3A_148, %swap3A_149], %swap3A_152 {strides = array<i32>} : memref<4x5x8x128xf32, #tpu.memory_space<vmem>>, vector<1x1x1x16xf32>,
        %slice3A_153 = vector.extract_strided_slice %get3A_85 {offsets = [3], sizes = [1], strides = [1]} : vector<16xf32> to vector<1xf32>
        %squeeze3A_154 = vector.extract %slice3A_153[0] : f32 from vector<1xf32>
        %get3A_155 = arith.constant 4 : i32
        %get3A_156 = arith.index_cast %get3A_155 : i32 to index
        %get3A_157 = arith.constant 0 : index
        %get3A_158 = tpu.vector_load %arg11[%get3A_156, %get3A_157] {strides = array<i32>} : memref<53x16xf32, #tpu.memory_space<vmem>>, vector<1x16xf32>,
        %get3A_159 = vector.shape_cast %get3A_158 : vector<1x16xf32> to vector<16xf32>
        %mul3A_160 = vector.broadcast %squeeze3A_154 : f32 to vector<16xf32>
        %mul3A_161 = arith.mulf %get3A_159, %mul3A_160 : vector<16xf32>
        %get3A_162 = arith.constant 17 : i32
        %get3A_163 = arith.index_cast %get3A_162 : i32 to index
        %get3A_164 = arith.constant 0 : index
        %get3A_165 = tpu.vector_load %arg11[%get3A_163, %get3A_164] {strides = array<i32>} : memref<53x16xf32, #tpu.memory_space<vmem>>, vector<1x16xf32>,
        %get3A_166 = vector.shape_cast %get3A_165 : vector<1x16xf32> to vector<16xf32>
        %add3A_167 = arith.addf %mul3A_161, %get3A_166 : vector<16xf32>
        %swap3A_168 = arith.constant 0 : i32
        %swap3A_169 = arith.index_cast %select_n3A : i32 to index
        %swap3A_170 = arith.index_cast %swap3A_168 : i32 to index
        %swap3A_171 = arith.index_cast %select_n3A_70 : i32 to index
        %swap3A_172 = arith.constant 64 : index
        %swap3A_173 = tpu.vector_load %arg10[%swap3A_169, %swap3A_170, %swap3A_171, %swap3A_172] {strides = array<i32>} : memref<4x5x8x128xf32, #tpu.memory_space<vmem>>, vector<1x1x1x16xf32>,
        %swap3A_174 = vector.shape_cast %swap3A_173 : vector<1x1x1x16xf32> to vector<16xf32>
        %swap3A_175 = vector.shape_cast %add3A_167 : vector<16xf32> to vector<1x1x1x16xf32>
        tpu.vector_store %arg10[%swap3A_169, %swap3A_170, %swap3A_171, %swap3A_172], %swap3A_175 {strides = array<i32>} : memref<4x5x8x128xf32, #tpu.memory_space<vmem>>, vector<1x1x1x16xf32>,
        %slice3A_176 = vector.extract_strided_slice %get3A_85 {offsets = [4], sizes = [1], strides = [1]} : vector<16xf32> to vector<1xf32>
        %squeeze3A_177 = vector.extract %slice3A_176[0] : f32 from vector<1xf32>
        %get3A_178 = arith.constant 5 : i32
        %get3A_179 = arith.index_cast %get3A_178 : i32 to index
        %get3A_180 = arith.constant 0 : index
        %get3A_181 = tpu.vector_load %arg11[%get3A_179, %get3A_180] {strides = array<i32>} : memref<53x16xf32, #tpu.memory_space<vmem>>, vector<1x16xf32>,
        %get3A_182 = vector.shape_cast %get3A_181 : vector<1x16xf32> to vector<16xf32>
        %mul3A_183 = vector.broadcast %squeeze3A_177 : f32 to vector<16xf32>
        %mul3A_184 = arith.mulf %get3A_182, %mul3A_183 : vector<16xf32>
        %get3A_185 = arith.constant 18 : i32
        %get3A_186 = arith.index_cast %get3A_185 : i32 to index
        %get3A_187 = arith.constant 0 : index
        %get3A_188 = tpu.vector_load %arg11[%get3A_186, %get3A_187] {strides = array<i32>} : memref<53x16xf32, #tpu.memory_space<vmem>>, vector<1x16xf32>,
        %get3A_189 = vector.shape_cast %get3A_188 : vector<1x16xf32> to vector<16xf32>
        %add3A_190 = arith.addf %mul3A_184, %get3A_189 : vector<16xf32>
        %swap3A_191 = arith.constant 0 : i32
        %swap3A_192 = arith.index_cast %select_n3A : i32 to index
        %swap3A_193 = arith.index_cast %swap3A_191 : i32 to index
        %swap3A_194 = arith.index_cast %select_n3A_70 : i32 to index
        %swap3A_195 = arith.constant 80 : index
        %swap3A_196 = tpu.vector_load %arg10[%swap3A_192, %swap3A_193, %swap3A_194, %swap3A_195] {strides = array<i32>} : memref<4x5x8x128xf32, #tpu.memory_space<vmem>>, vector<1x1x1x16xf32>,
        %swap3A_197 = vector.shape_cast %swap3A_196 : vector<1x1x1x16xf32> to vector<16xf32>
        %swap3A_198 = vector.shape_cast %add3A_190 : vector<16xf32> to vector<1x1x1x16xf32>
        tpu.vector_store %arg10[%swap3A_192, %swap3A_193, %swap3A_194, %swap3A_195], %swap3A_198 {strides = array<i32>} : memref<4x5x8x128xf32, #tpu.memory_space<vmem>>, vector<1x1x1x16xf32>,
        %slice3A_199 = vector.extract_strided_slice %get3A_85 {offsets = [5], sizes = [1], strides = [1]} : vector<16xf32> to vector<1xf32>
        %squeeze3A_200 = vector.extract %slice3A_199[0] : f32 from vector<1xf32>
        %get3A_201 = arith.constant 6 : i32
        %get3A_202 = arith.index_cast %get3A_201 : i32 to index
        %get3A_203 = arith.constant 0 : index
        %get3A_204 = tpu.vector_load %arg11[%get3A_202, %get3A_203] {strides = array<i32>} : memref<53x16xf32, #tpu.memory_space<vmem>>, vector<1x16xf32>,
        %get3A_205 = vector.shape_cast %get3A_204 : vector<1x16xf32> to vector<16xf32>
        %mul3A_206 = vector.broadcast %squeeze3A_200 : f32 to vector<16xf32>
        %mul3A_207 = arith.mulf %get3A_205, %mul3A_206 : vector<16xf32>
        %get3A_208 = arith.constant 19 : i32
        %get3A_209 = arith.index_cast %get3A_208 : i32 to index
        %get3A_210 = arith.constant 0 : index
        %get3A_211 = tpu.vector_load %arg11[%get3A_209, %get3A_210] {strides = array<i32>} : memref<53x16xf32, #tpu.memory_space<vmem>>, vector<1x16xf32>,
        %get3A_212 = vector.shape_cast %get3A_211 : vector<1x16xf32> to vector<16xf32>
        %add3A_213 = arith.addf %mul3A_207, %get3A_212 : vector<16xf32>
        %swap3A_214 = arith.constant 0 : i32
        %swap3A_215 = arith.index_cast %select_n3A : i32 to index
        %swap3A_216 = arith.index_cast %swap3A_214 : i32 to index
        %swap3A_217 = arith.index_cast %select_n3A_70 : i32 to index
        %swap3A_218 = arith.constant 96 : index
        %swap3A_219 = tpu.vector_load %arg10[%swap3A_215, %swap3A_216, %swap3A_217, %swap3A_218] {strides = array<i32>} : memref<4x5x8x128xf32, #tpu.memory_space<vmem>>, vector<1x1x1x16xf32>,
        %swap3A_220 = vector.shape_cast %swap3A_219 : vector<1x1x1x16xf32> to vector<16xf32>
        %swap3A_221 = vector.shape_cast %add3A_213 : vector<16xf32> to vector<1x1x1x16xf32>
        tpu.vector_store %arg10[%swap3A_215, %swap3A_216, %swap3A_217, %swap3A_218], %swap3A_221 {strides = array<i32>} : memref<4x5x8x128xf32, #tpu.memory_space<vmem>>, vector<1x1x1x16xf32>,
        %slice3A_222 = vector.extract_strided_slice %get3A_85 {offsets = [6], sizes = [1], strides = [1]} : vector<16xf32> to vector<1xf32>
        %squeeze3A_223 = vector.extract %slice3A_222[0] : f32 from vector<1xf32>
        %get3A_224 = arith.constant 7 : i32
        %get3A_225 = arith.index_cast %get3A_224 : i32 to index
        %get3A_226 = arith.constant 0 : index
        %get3A_227 = tpu.vector_load %arg11[%get3A_225, %get3A_226] {strides = array<i32>} : memref<53x16xf32, #tpu.memory_space<vmem>>, vector<1x16xf32>,
        %get3A_228 = vector.shape_cast %get3A_227 : vector<1x16xf32> to vector<16xf32>
        %mul3A_229 = vector.broadcast %squeeze3A_223 : f32 to vector<16xf32>
        %mul3A_230 = arith.mulf %get3A_228, %mul3A_229 : vector<16xf32>
        %get3A_231 = arith.constant 20 : i32
        %get3A_232 = arith.index_cast %get3A_231 : i32 to index
        %get3A_233 = arith.constant 0 : index
        %get3A_234 = tpu.vector_load %arg11[%get3A_232, %get3A_233] {strides = array<i32>} : memref<53x16xf32, #tpu.memory_space<vmem>>, vector<1x16xf32>,
        %get3A_235 = vector.shape_cast %get3A_234 : vector<1x16xf32> to vector<16xf32>
        %add3A_236 = arith.addf %mul3A_230, %get3A_235 : vector<16xf32>
        %swap3A_237 = arith.constant 0 : i32
        %swap3A_238 = arith.index_cast %select_n3A : i32 to index
        %swap3A_239 = arith.index_cast %swap3A_237 : i32 to index
        %swap3A_240 = arith.index_cast %select_n3A_70 : i32 to index
        %swap3A_241 = arith.constant 112 : index
        %swap3A_242 = tpu.vector_load %arg10[%swap3A_238, %swap3A_239, %swap3A_240, %swap3A_241] {strides = array<i32>} : memref<4x5x8x128xf32, #tpu.memory_space<vmem>>, vector<1x1x1x16xf32>,
        %swap3A_243 = vector.shape_cast %swap3A_242 : vector<1x1x1x16xf32> to vector<16xf32>
        %swap3A_244 = vector.shape_cast %add3A_236 : vector<16xf32> to vector<1x1x1x16xf32>
        tpu.vector_store %arg10[%swap3A_238, %swap3A_239, %swap3A_240, %swap3A_241], %swap3A_244 {strides = array<i32>} : memref<4x5x8x128xf32, #tpu.memory_space<vmem>>, vector<1x1x1x16xf32>,
        %slice3A_245 = vector.extract_strided_slice %get3A_85 {offsets = [7], sizes = [1], strides = [1]} : vector<16xf32> to vector<1xf32>
        %squeeze3A_246 = vector.extract %slice3A_245[0] : f32 from vector<1xf32>
        %get3A_247 = arith.constant 8 : i32
        %get3A_248 = arith.index_cast %get3A_247 : i32 to index
        %get3A_249 = arith.constant 0 : index
        %get3A_250 = tpu.vector_load %arg11[%get3A_248, %get3A_249] {strides = array<i32>} : memref<53x16xf32, #tpu.memory_space<vmem>>, vector<1x16xf32>,
        %get3A_251 = vector.shape_cast %get3A_250 : vector<1x16xf32> to vector<16xf32>
        %mul3A_252 = vector.broadcast %squeeze3A_246 : f32 to vector<16xf32>
        %mul3A_253 = arith.mulf %get3A_251, %mul3A_252 : vector<16xf32>
        %get3A_254 = arith.constant 21 : i32
        %get3A_255 = arith.index_cast %get3A_254 : i32 to index
        %get3A_256 = arith.constant 0 : index
        %get3A_257 = tpu.vector_load %arg11[%get3A_255, %get3A_256] {strides = array<i32>} : memref<53x16xf32, #tpu.memory_space<vmem>>, vector<1x16xf32>,
        %get3A_258 = vector.shape_cast %get3A_257 : vector<1x16xf32> to vector<16xf32>
        %add3A_259 = arith.addf %mul3A_253, %get3A_258 : vector<16xf32>
        %swap3A_260 = arith.constant 1 : i32
        %swap3A_261 = arith.index_cast %select_n3A : i32 to index
        %swap3A_262 = arith.index_cast %swap3A_260 : i32 to index
        %swap3A_263 = arith.index_cast %select_n3A_70 : i32 to index
        %swap3A_264 = arith.constant 0 : index
        %swap3A_265 = tpu.vector_load %arg10[%swap3A_261, %swap3A_262, %swap3A_263, %swap3A_264] {strides = array<i32>} : memref<4x5x8x128xf32, #tpu.memory_space<vmem>>, vector<1x1x1x16xf32>,
        %swap3A_266 = vector.shape_cast %swap3A_265 : vector<1x1x1x16xf32> to vector<16xf32>
        %swap3A_267 = vector.shape_cast %add3A_259 : vector<16xf32> to vector<1x1x1x16xf32>
        tpu.vector_store %arg10[%swap3A_261, %swap3A_262, %swap3A_263, %swap3A_264], %swap3A_267 {strides = array<i32>} : memref<4x5x8x128xf32, #tpu.memory_space<vmem>>, vector<1x1x1x16xf32>,
        %slice3A_268 = vector.extract_strided_slice %get3A_85 {offsets = [8], sizes = [1], strides = [1]} : vector<16xf32> to vector<1xf32>
        %squeeze3A_269 = vector.extract %slice3A_268[0] : f32 from vector<1xf32>
        %get3A_270 = arith.constant 9 : i32
        %get3A_271 = arith.index_cast %get3A_270 : i32 to index
        %get3A_272 = arith.constant 0 : index
        %get3A_273 = tpu.vector_load %arg11[%get3A_271, %get3A_272] {strides = array<i32>} : memref<53x16xf32, #tpu.memory_space<vmem>>, vector<1x16xf32>,
        %get3A_274 = vector.shape_cast %get3A_273 : vector<1x16xf32> to vector<16xf32>
        %mul3A_275 = vector.broadcast %squeeze3A_269 : f32 to vector<16xf32>
        %mul3A_276 = arith.mulf %get3A_274, %mul3A_275 : vector<16xf32>
        %get3A_277 = arith.constant 22 : i32
        %get3A_278 = arith.index_cast %get3A_277 : i32 to index
        %get3A_279 = arith.constant 0 : index
        %get3A_280 = tpu.vector_load %arg11[%get3A_278, %get3A_279] {strides = array<i32>} : memref<53x16xf32, #tpu.memory_space<vmem>>, vector<1x16xf32>,
        %get3A_281 = vector.shape_cast %get3A_280 : vector<1x16xf32> to vector<16xf32>
        %add3A_282 = arith.addf %mul3A_276, %get3A_281 : vector<16xf32>
        %swap3A_283 = arith.constant 1 : i32
        %swap3A_284 = arith.index_cast %select_n3A : i32 to index
        %swap3A_285 = arith.index_cast %swap3A_283 : i32 to index
        %swap3A_286 = arith.index_cast %select_n3A_70 : i32 to index
        %swap3A_287 = arith.constant 16 : index
        %swap3A_288 = tpu.vector_load %arg10[%swap3A_284, %swap3A_285, %swap3A_286, %swap3A_287] {strides = array<i32>} : memref<4x5x8x128xf32, #tpu.memory_space<vmem>>, vector<1x1x1x16xf32>,
        %swap3A_289 = vector.shape_cast %swap3A_288 : vector<1x1x1x16xf32> to vector<16xf32>
        %swap3A_290 = vector.shape_cast %add3A_282 : vector<16xf32> to vector<1x1x1x16xf32>
        tpu.vector_store %arg10[%swap3A_284, %swap3A_285, %swap3A_286, %swap3A_287], %swap3A_290 {strides = array<i32>} : memref<4x5x8x128xf32, #tpu.memory_space<vmem>>, vector<1x1x1x16xf32>,
        %slice3A_291 = vector.extract_strided_slice %get3A_85 {offsets = [9], sizes = [1], strides = [1]} : vector<16xf32> to vector<1xf32>
        %squeeze3A_292 = vector.extract %slice3A_291[0] : f32 from vector<1xf32>
        %get3A_293 = arith.constant 10 : i32
        %get3A_294 = arith.index_cast %get3A_293 : i32 to index
        %get3A_295 = arith.constant 0 : index
        %get3A_296 = tpu.vector_load %arg11[%get3A_294, %get3A_295] {strides = array<i32>} : memref<53x16xf32, #tpu.memory_space<vmem>>, vector<1x16xf32>,
        %get3A_297 = vector.shape_cast %get3A_296 : vector<1x16xf32> to vector<16xf32>
        %mul3A_298 = vector.broadcast %squeeze3A_292 : f32 to vector<16xf32>
        %mul3A_299 = arith.mulf %get3A_297, %mul3A_298 : vector<16xf32>
        %get3A_300 = arith.constant 23 : i32
        %get3A_301 = arith.index_cast %get3A_300 : i32 to index
        %get3A_302 = arith.constant 0 : index
        %get3A_303 = tpu.vector_load %arg11[%get3A_301, %get3A_302] {strides = array<i32>} : memref<53x16xf32, #tpu.memory_space<vmem>>, vector<1x16xf32>,
        %get3A_304 = vector.shape_cast %get3A_303 : vector<1x16xf32> to vector<16xf32>
        %add3A_305 = arith.addf %mul3A_299, %get3A_304 : vector<16xf32>
        %swap3A_306 = arith.constant 1 : i32
        %swap3A_307 = arith.index_cast %select_n3A : i32 to index
        %swap3A_308 = arith.index_cast %swap3A_306 : i32 to index
        %swap3A_309 = arith.index_cast %select_n3A_70 : i32 to index
        %swap3A_310 = arith.constant 32 : index
        %swap3A_311 = tpu.vector_load %arg10[%swap3A_307, %swap3A_308, %swap3A_309, %swap3A_310] {strides = array<i32>} : memref<4x5x8x128xf32, #tpu.memory_space<vmem>>, vector<1x1x1x16xf32>,
        %swap3A_312 = vector.shape_cast %swap3A_311 : vector<1x1x1x16xf32> to vector<16xf32>
        %swap3A_313 = vector.shape_cast %add3A_305 : vector<16xf32> to vector<1x1x1x16xf32>
        tpu.vector_store %arg10[%swap3A_307, %swap3A_308, %swap3A_309, %swap3A_310], %swap3A_313 {strides = array<i32>} : memref<4x5x8x128xf32, #tpu.memory_space<vmem>>, vector<1x1x1x16xf32>,
        %slice3A_314 = vector.extract_strided_slice %get3A_85 {offsets = [10], sizes = [1], strides = [1]} : vector<16xf32> to vector<1xf32>
        %squeeze3A_315 = vector.extract %slice3A_314[0] : f32 from vector<1xf32>
        %get3A_316 = arith.constant 11 : i32
        %get3A_317 = arith.index_cast %get3A_316 : i32 to index
        %get3A_318 = arith.constant 0 : index
        %get3A_319 = tpu.vector_load %arg11[%get3A_317, %get3A_318] {strides = array<i32>} : memref<53x16xf32, #tpu.memory_space<vmem>>, vector<1x16xf32>,
        %get3A_320 = vector.shape_cast %get3A_319 : vector<1x16xf32> to vector<16xf32>
        %mul3A_321 = vector.broadcast %squeeze3A_315 : f32 to vector<16xf32>
        %mul3A_322 = arith.mulf %get3A_320, %mul3A_321 : vector<16xf32>
        %get3A_323 = arith.constant 24 : i32
        %get3A_324 = arith.index_cast %get3A_323 : i32 to index
        %get3A_325 = arith.constant 0 : index
        %get3A_326 = tpu.vector_load %arg11[%get3A_324, %get3A_325] {strides = array<i32>} : memref<53x16xf32, #tpu.memory_space<vmem>>, vector<1x16xf32>,
        %get3A_327 = vector.shape_cast %get3A_326 : vector<1x16xf32> to vector<16xf32>
        %add3A_328 = arith.addf %mul3A_322, %get3A_327 : vector<16xf32>
        %swap3A_329 = arith.constant 1 : i32
        %swap3A_330 = arith.index_cast %select_n3A : i32 to index
        %swap3A_331 = arith.index_cast %swap3A_329 : i32 to index
        %swap3A_332 = arith.index_cast %select_n3A_70 : i32 to index
        %swap3A_333 = arith.constant 48 : index
        %swap3A_334 = tpu.vector_load %arg10[%swap3A_330, %swap3A_331, %swap3A_332, %swap3A_333] {strides = array<i32>} : memref<4x5x8x128xf32, #tpu.memory_space<vmem>>, vector<1x1x1x16xf32>,
        %swap3A_335 = vector.shape_cast %swap3A_334 : vector<1x1x1x16xf32> to vector<16xf32>
        %swap3A_336 = vector.shape_cast %add3A_328 : vector<16xf32> to vector<1x1x1x16xf32>
        tpu.vector_store %arg10[%swap3A_330, %swap3A_331, %swap3A_332, %swap3A_333], %swap3A_336 {strides = array<i32>} : memref<4x5x8x128xf32, #tpu.memory_space<vmem>>, vector<1x1x1x16xf32>,
        %slice3A_337 = vector.extract_strided_slice %get3A_85 {offsets = [11], sizes = [1], strides = [1]} : vector<16xf32> to vector<1xf32>
        %squeeze3A_338 = vector.extract %slice3A_337[0] : f32 from vector<1xf32>
        %get3A_339 = arith.constant 12 : i32
        %get3A_340 = arith.index_cast %get3A_339 : i32 to index
        %get3A_341 = arith.constant 0 : index
        %get3A_342 = tpu.vector_load %arg11[%get3A_340, %get3A_341] {strides = array<i32>} : memref<53x16xf32, #tpu.memory_space<vmem>>, vector<1x16xf32>,
        %get3A_343 = vector.shape_cast %get3A_342 : vector<1x16xf32> to vector<16xf32>
        %mul3A_344 = vector.broadcast %squeeze3A_338 : f32 to vector<16xf32>
        %mul3A_345 = arith.mulf %get3A_343, %mul3A_344 : vector<16xf32>
        %get3A_346 = arith.constant 25 : i32
        %get3A_347 = arith.index_cast %get3A_346 : i32 to index
        %get3A_348 = arith.constant 0 : index
        %get3A_349 = tpu.vector_load %arg11[%get3A_347, %get3A_348] {strides = array<i32>} : memref<53x16xf32, #tpu.memory_space<vmem>>, vector<1x16xf32>,
        %get3A_350 = vector.shape_cast %get3A_349 : vector<1x16xf32> to vector<16xf32>
        %add3A_351 = arith.addf %mul3A_345, %get3A_350 : vector<16xf32>
        %swap3A_352 = arith.constant 1 : i32
        %swap3A_353 = arith.index_cast %select_n3A : i32 to index
        %swap3A_354 = arith.index_cast %swap3A_352 : i32 to index
        %swap3A_355 = arith.index_cast %select_n3A_70 : i32 to index
        %swap3A_356 = arith.constant 64 : index
        %swap3A_357 = tpu.vector_load %arg10[%swap3A_353, %swap3A_354, %swap3A_355, %swap3A_356] {strides = array<i32>} : memref<4x5x8x128xf32, #tpu.memory_space<vmem>>, vector<1x1x1x16xf32>,
        %swap3A_358 = vector.shape_cast %swap3A_357 : vector<1x1x1x16xf32> to vector<16xf32>
        %swap3A_359 = vector.shape_cast %add3A_351 : vector<16xf32> to vector<1x1x1x16xf32>
        tpu.vector_store %arg10[%swap3A_353, %swap3A_354, %swap3A_355, %swap3A_356], %swap3A_359 {strides = array<i32>} : memref<4x5x8x128xf32, #tpu.memory_space<vmem>>, vector<1x1x1x16xf32>,
        %slice3A_360 = vector.extract_strided_slice %get3A_85 {offsets = [12], sizes = [1], strides = [1]} : vector<16xf32> to vector<1xf32>
        %squeeze3A_361 = vector.extract %slice3A_360[0] : f32 from vector<1xf32>
        %get3A_362 = arith.constant 13 : i32
        %get3A_363 = arith.index_cast %get3A_362 : i32 to index
        %get3A_364 = arith.constant 0 : index
        %get3A_365 = tpu.vector_load %arg11[%get3A_363, %get3A_364] {strides = array<i32>} : memref<53x16xf32, #tpu.memory_space<vmem>>, vector<1x16xf32>,
        %get3A_366 = vector.shape_cast %get3A_365 : vector<1x16xf32> to vector<16xf32>
        %mul3A_367 = vector.broadcast %squeeze3A_361 : f32 to vector<16xf32>
        %mul3A_368 = arith.mulf %get3A_366, %mul3A_367 : vector<16xf32>
        %get3A_369 = arith.constant 26 : i32
        %get3A_370 = arith.index_cast %get3A_369 : i32 to index
        %get3A_371 = arith.constant 0 : index
        %get3A_372 = tpu.vector_load %arg11[%get3A_370, %get3A_371] {strides = array<i32>} : memref<53x16xf32, #tpu.memory_space<vmem>>, vector<1x16xf32>,
        %get3A_373 = vector.shape_cast %get3A_372 : vector<1x16xf32> to vector<16xf32>
        %add3A_374 = arith.addf %mul3A_368, %get3A_373 : vector<16xf32>
        %swap3A_375 = arith.constant 1 : i32
        %swap3A_376 = arith.index_cast %select_n3A : i32 to index
        %swap3A_377 = arith.index_cast %swap3A_375 : i32 to index
        %swap3A_378 = arith.index_cast %select_n3A_70 : i32 to index
        %swap3A_379 = arith.constant 80 : index
        %swap3A_380 = tpu.vector_load %arg10[%swap3A_376, %swap3A_377, %swap3A_378, %swap3A_379] {strides = array<i32>} : memref<4x5x8x128xf32, #tpu.memory_space<vmem>>, vector<1x1x1x16xf32>,
        %swap3A_381 = vector.shape_cast %swap3A_380 : vector<1x1x1x16xf32> to vector<16xf32>
        %swap3A_382 = vector.shape_cast %add3A_374 : vector<16xf32> to vector<1x1x1x16xf32>
        tpu.vector_store %arg10[%swap3A_376, %swap3A_377, %swap3A_378, %swap3A_379], %swap3A_382 {strides = array<i32>} : memref<4x5x8x128xf32, #tpu.memory_space<vmem>>, vector<1x1x1x16xf32>,
        %mul3A_383 = arith.constant 26 : i32
        %mul3A_384 = arith.muli %scan3A_40, %mul3A_383 : i32
        %add3A_385 = arith.constant 0 : i32
        %add3A_386 = arith.addi %mul3A_384, %add3A_385 : i32
        %get3A_387 = arith.index_cast %add3A_386 : i32 to index
        %get3A_388 = arith.constant 0 : index
        %get3A_389 = tpu.vector_load %arg9[%get3A_387, %get3A_388] {strides = array<i32>} : memref<832x16xf32, #tpu.memory_space<vmem>>, vector<1x16xf32>,
        %get3A_390 = vector.shape_cast %get3A_389 : vector<1x16xf32> to vector<16xf32>
        %get3A_391 = arith.constant 27 : i32
        %get3A_392 = arith.index_cast %get3A_391 : i32 to index
        %get3A_393 = arith.constant 0 : index
        %get3A_394 = tpu.vector_load %arg11[%get3A_392, %get3A_393] {strides = array<i32>} : memref<53x16xf32, #tpu.memory_space<vmem>>, vector<1x16xf32>,
        %get3A_395 = vector.shape_cast %get3A_394 : vector<1x16xf32> to vector<16xf32>
        %add3A_396 = arith.addf %get3A_390, %get3A_395 : vector<16xf32>
        %swap3A_397 = arith.constant 1 : i32
        %swap3A_398 = arith.index_cast %select_n3A : i32 to index
        %swap3A_399 = arith.index_cast %swap3A_397 : i32 to index
        %swap3A_400 = arith.index_cast %select_n3A_70 : i32 to index
        %swap3A_401 = arith.constant 96 : index
        %swap3A_402 = tpu.vector_load %arg10[%swap3A_398, %swap3A_399, %swap3A_400, %swap3A_401] {strides = array<i32>} : memref<4x5x8x128xf32, #tpu.memory_space<vmem>>, vector<1x1x1x16xf32>,
        %swap3A_403 = vector.shape_cast %swap3A_402 : vector<1x1x1x16xf32> to vector<16xf32>
        %swap3A_404 = vector.shape_cast %add3A_396 : vector<16xf32> to vector<1x1x1x16xf32>
        tpu.vector_store %arg10[%swap3A_398, %swap3A_399, %swap3A_400, %swap3A_401], %swap3A_404 {strides = array<i32>} : memref<4x5x8x128xf32, #tpu.memory_space<vmem>>, vector<1x1x1x16xf32>,
        %mul3A_405 = arith.constant 26 : i32
        %mul3A_406 = arith.muli %scan3A_40, %mul3A_405 : i32
        %add3A_407 = arith.constant 1 : i32
        %add3A_408 = arith.addi %mul3A_406, %add3A_407 : i32
        %get3A_409 = arith.index_cast %add3A_408 : i32 to index
        %get3A_410 = arith.constant 0 : index
        %get3A_411 = tpu.vector_load %arg9[%get3A_409, %get3A_410] {strides = array<i32>} : memref<832x16xf32, #tpu.memory_space<vmem>>, vector<1x16xf32>,
        %get3A_412 = vector.shape_cast %get3A_411 : vector<1x16xf32> to vector<16xf32>
        %get3A_413 = arith.constant 28 : i32
        %get3A_414 = arith.index_cast %get3A_413 : i32 to index
        %get3A_415 = arith.constant 0 : index
        %get3A_416 = tpu.vector_load %arg11[%get3A_414, %get3A_415] {strides = array<i32>} : memref<53x16xf32, #tpu.memory_space<vmem>>, vector<1x16xf32>,
        %get3A_417 = vector.shape_cast %get3A_416 : vector<1x16xf32> to vector<16xf32>
        %add3A_418 = arith.addf %get3A_412, %get3A_417 : vector<16xf32>
        %swap3A_419 = arith.constant 1 : i32
        %swap3A_420 = arith.index_cast %select_n3A : i32 to index
        %swap3A_421 = arith.index_cast %swap3A_419 : i32 to index
        %swap3A_422 = arith.index_cast %select_n3A_70 : i32 to index
        %swap3A_423 = arith.constant 112 : index
        %swap3A_424 = tpu.vector_load %arg10[%swap3A_420, %swap3A_421, %swap3A_422, %swap3A_423] {strides = array<i32>} : memref<4x5x8x128xf32, #tpu.memory_space<vmem>>, vector<1x1x1x16xf32>,
        %swap3A_425 = vector.shape_cast %swap3A_424 : vector<1x1x1x16xf32> to vector<16xf32>
        %swap3A_426 = vector.shape_cast %add3A_418 : vector<16xf32> to vector<1x1x1x16xf32>
        tpu.vector_store %arg10[%swap3A_420, %swap3A_421, %swap3A_422, %swap3A_423], %swap3A_426 {strides = array<i32>} : memref<4x5x8x128xf32, #tpu.memory_space<vmem>>, vector<1x1x1x16xf32>,
        %mul3A_427 = arith.constant 26 : i32
        %mul3A_428 = arith.muli %scan3A_40, %mul3A_427 : i32
        %add3A_429 = arith.constant 2 : i32
        %add3A_430 = arith.addi %mul3A_428, %add3A_429 : i32
        %get3A_431 = arith.index_cast %add3A_430 : i32 to index
        %get3A_432 = arith.constant 0 : index
        %get3A_433 = tpu.vector_load %arg9[%get3A_431, %get3A_432] {strides = array<i32>} : memref<832x16xf32, #tpu.memory_space<vmem>>, vector<1x16xf32>,
        %get3A_434 = vector.shape_cast %get3A_433 : vector<1x16xf32> to vector<16xf32>
        %get3A_435 = arith.constant 29 : i32
        %get3A_436 = arith.index_cast %get3A_435 : i32 to index
        %get3A_437 = arith.constant 0 : index
        %get3A_438 = tpu.vector_load %arg11[%get3A_436, %get3A_437] {strides = array<i32>} : memref<53x16xf32, #tpu.memory_space<vmem>>, vector<1x16xf32>,
        %get3A_439 = vector.shape_cast %get3A_438 : vector<1x16xf32> to vector<16xf32>
        %add3A_440 = arith.addf %get3A_434, %get3A_439 : vector<16xf32>
        %swap3A_441 = arith.constant 2 : i32
        %swap3A_442 = arith.index_cast %select_n3A : i32 to index
        %swap3A_443 = arith.index_cast %swap3A_441 : i32 to index
        %swap3A_444 = arith.index_cast %select_n3A_70 : i32 to index
        %swap3A_445 = arith.constant 0 : index
        %swap3A_446 = tpu.vector_load %arg10[%swap3A_442, %swap3A_443, %swap3A_444, %swap3A_445] {strides = array<i32>} : memref<4x5x8x128xf32, #tpu.memory_space<vmem>>, vector<1x1x1x16xf32>,
        %swap3A_447 = vector.shape_cast %swap3A_446 : vector<1x1x1x16xf32> to vector<16xf32>
        %swap3A_448 = vector.shape_cast %add3A_440 : vector<16xf32> to vector<1x1x1x16xf32>
        tpu.vector_store %arg10[%swap3A_442, %swap3A_443, %swap3A_444, %swap3A_445], %swap3A_448 {strides = array<i32>} : memref<4x5x8x128xf32, #tpu.memory_space<vmem>>, vector<1x1x1x16xf32>,
        %mul3A_449 = arith.constant 26 : i32
        %mul3A_450 = arith.muli %scan3A_40, %mul3A_449 : i32
        %add3A_451 = arith.constant 3 : i32
        %add3A_452 = arith.addi %mul3A_450, %add3A_451 : i32
        %get3A_453 = arith.index_cast %add3A_452 : i32 to index
        %get3A_454 = arith.constant 0 : index
        %get3A_455 = tpu.vector_load %arg9[%get3A_453, %get3A_454] {strides = array<i32>} : memref<832x16xf32, #tpu.memory_space<vmem>>, vector<1x16xf32>,
        %get3A_456 = vector.shape_cast %get3A_455 : vector<1x16xf32> to vector<16xf32>
        %get3A_457 = arith.constant 30 : i32
        %get3A_458 = arith.index_cast %get3A_457 : i32 to index
        %get3A_459 = arith.constant 0 : index
        %get3A_460 = tpu.vector_load %arg11[%get3A_458, %get3A_459] {strides = array<i32>} : memref<53x16xf32, #tpu.memory_space<vmem>>, vector<1x16xf32>,
        %get3A_461 = vector.shape_cast %get3A_460 : vector<1x16xf32> to vector<16xf32>
        %add3A_462 = arith.addf %get3A_456, %get3A_461 : vector<16xf32>
        %swap3A_463 = arith.constant 2 : i32
        %swap3A_464 = arith.index_cast %select_n3A : i32 to index
        %swap3A_465 = arith.index_cast %swap3A_463 : i32 to index
        %swap3A_466 = arith.index_cast %select_n3A_70 : i32 to index
        %swap3A_467 = arith.constant 16 : index
        %swap3A_468 = tpu.vector_load %arg10[%swap3A_464, %swap3A_465, %swap3A_466, %swap3A_467] {strides = array<i32>} : memref<4x5x8x128xf32, #tpu.memory_space<vmem>>, vector<1x1x1x16xf32>,
        %swap3A_469 = vector.shape_cast %swap3A_468 : vector<1x1x1x16xf32> to vector<16xf32>
        %swap3A_470 = vector.shape_cast %add3A_462 : vector<16xf32> to vector<1x1x1x16xf32>
        tpu.vector_store %arg10[%swap3A_464, %swap3A_465, %swap3A_466, %swap3A_467], %swap3A_470 {strides = array<i32>} : memref<4x5x8x128xf32, #tpu.memory_space<vmem>>, vector<1x1x1x16xf32>,
        %mul3A_471 = arith.constant 26 : i32
        %mul3A_472 = arith.muli %scan3A_40, %mul3A_471 : i32
        %add3A_473 = arith.constant 4 : i32
        %add3A_474 = arith.addi %mul3A_472, %add3A_473 : i32
        %get3A_475 = arith.index_cast %add3A_474 : i32 to index
        %get3A_476 = arith.constant 0 : index
        %get3A_477 = tpu.vector_load %arg9[%get3A_475, %get3A_476] {strides = array<i32>} : memref<832x16xf32, #tpu.memory_space<vmem>>, vector<1x16xf32>,
        %get3A_478 = vector.shape_cast %get3A_477 : vector<1x16xf32> to vector<16xf32>
        %get3A_479 = arith.constant 31 : i32
        %get3A_480 = arith.index_cast %get3A_479 : i32 to index
        %get3A_481 = arith.constant 0 : index
        %get3A_482 = tpu.vector_load %arg11[%get3A_480, %get3A_481] {strides = array<i32>} : memref<53x16xf32, #tpu.memory_space<vmem>>, vector<1x16xf32>,
        %get3A_483 = vector.shape_cast %get3A_482 : vector<1x16xf32> to vector<16xf32>
        %add3A_484 = arith.addf %get3A_478, %get3A_483 : vector<16xf32>
        %swap3A_485 = arith.constant 2 : i32
        %swap3A_486 = arith.index_cast %select_n3A : i32 to index
        %swap3A_487 = arith.index_cast %swap3A_485 : i32 to index
        %swap3A_488 = arith.index_cast %select_n3A_70 : i32 to index
        %swap3A_489 = arith.constant 32 : index
        %swap3A_490 = tpu.vector_load %arg10[%swap3A_486, %swap3A_487, %swap3A_488, %swap3A_489] {strides = array<i32>} : memref<4x5x8x128xf32, #tpu.memory_space<vmem>>, vector<1x1x1x16xf32>,
        %swap3A_491 = vector.shape_cast %swap3A_490 : vector<1x1x1x16xf32> to vector<16xf32>
        %swap3A_492 = vector.shape_cast %add3A_484 : vector<16xf32> to vector<1x1x1x16xf32>
        tpu.vector_store %arg10[%swap3A_486, %swap3A_487, %swap3A_488, %swap3A_489], %swap3A_492 {strides = array<i32>} : memref<4x5x8x128xf32, #tpu.memory_space<vmem>>, vector<1x1x1x16xf32>,
        %mul3A_493 = arith.constant 26 : i32
        %mul3A_494 = arith.muli %scan3A_40, %mul3A_493 : i32
        %add3A_495 = arith.constant 5 : i32
        %add3A_496 = arith.addi %mul3A_494, %add3A_495 : i32
        %get3A_497 = arith.index_cast %add3A_496 : i32 to index
        %get3A_498 = arith.constant 0 : index
        %get3A_499 = tpu.vector_load %arg9[%get3A_497, %get3A_498] {strides = array<i32>} : memref<832x16xf32, #tpu.memory_space<vmem>>, vector<1x16xf32>,
        %get3A_500 = vector.shape_cast %get3A_499 : vector<1x16xf32> to vector<16xf32>
        %get3A_501 = arith.constant 32 : i32
        %get3A_502 = arith.index_cast %get3A_501 : i32 to index
        %get3A_503 = arith.constant 0 : index
        %get3A_504 = tpu.vector_load %arg11[%get3A_502, %get3A_503] {strides = array<i32>} : memref<53x16xf32, #tpu.memory_space<vmem>>, vector<1x16xf32>,
        %get3A_505 = vector.shape_cast %get3A_504 : vector<1x16xf32> to vector<16xf32>
        %add3A_506 = arith.addf %get3A_500, %get3A_505 : vector<16xf32>
        %swap3A_507 = arith.constant 2 : i32
        %swap3A_508 = arith.index_cast %select_n3A : i32 to index
        %swap3A_509 = arith.index_cast %swap3A_507 : i32 to index
        %swap3A_510 = arith.index_cast %select_n3A_70 : i32 to index
        %swap3A_511 = arith.constant 48 : index
        %swap3A_512 = tpu.vector_load %arg10[%swap3A_508, %swap3A_509, %swap3A_510, %swap3A_511] {strides = array<i32>} : memref<4x5x8x128xf32, #tpu.memory_space<vmem>>, vector<1x1x1x16xf32>,
        %swap3A_513 = vector.shape_cast %swap3A_512 : vector<1x1x1x16xf32> to vector<16xf32>
        %swap3A_514 = vector.shape_cast %add3A_506 : vector<16xf32> to vector<1x1x1x16xf32>
        tpu.vector_store %arg10[%swap3A_508, %swap3A_509, %swap3A_510, %swap3A_511], %swap3A_514 {strides = array<i32>} : memref<4x5x8x128xf32, #tpu.memory_space<vmem>>, vector<1x1x1x16xf32>,
        %mul3A_515 = arith.constant 26 : i32
        %mul3A_516 = arith.muli %scan3A_40, %mul3A_515 : i32
        %add3A_517 = arith.constant 6 : i32
        %add3A_518 = arith.addi %mul3A_516, %add3A_517 : i32
        %get3A_519 = arith.index_cast %add3A_518 : i32 to index
        %get3A_520 = arith.constant 0 : index
        %get3A_521 = tpu.vector_load %arg9[%get3A_519, %get3A_520] {strides = array<i32>} : memref<832x16xf32, #tpu.memory_space<vmem>>, vector<1x16xf32>,
        %get3A_522 = vector.shape_cast %get3A_521 : vector<1x16xf32> to vector<16xf32>
        %get3A_523 = arith.constant 33 : i32
        %get3A_524 = arith.index_cast %get3A_523 : i32 to index
        %get3A_525 = arith.constant 0 : index
        %get3A_526 = tpu.vector_load %arg11[%get3A_524, %get3A_525] {strides = array<i32>} : memref<53x16xf32, #tpu.memory_space<vmem>>, vector<1x16xf32>,
        %get3A_527 = vector.shape_cast %get3A_526 : vector<1x16xf32> to vector<16xf32>
        %add3A_528 = arith.addf %get3A_522, %get3A_527 : vector<16xf32>
        %swap3A_529 = arith.constant 2 : i32
        %swap3A_530 = arith.index_cast %select_n3A : i32 to index
        %swap3A_531 = arith.index_cast %swap3A_529 : i32 to index
        %swap3A_532 = arith.index_cast %select_n3A_70 : i32 to index
        %swap3A_533 = arith.constant 64 : index
        %swap3A_534 = tpu.vector_load %arg10[%swap3A_530, %swap3A_531, %swap3A_532, %swap3A_533] {strides = array<i32>} : memref<4x5x8x128xf32, #tpu.memory_space<vmem>>, vector<1x1x1x16xf32>,
        %swap3A_535 = vector.shape_cast %swap3A_534 : vector<1x1x1x16xf32> to vector<16xf32>
        %swap3A_536 = vector.shape_cast %add3A_528 : vector<16xf32> to vector<1x1x1x16xf32>
        tpu.vector_store %arg10[%swap3A_530, %swap3A_531, %swap3A_532, %swap3A_533], %swap3A_536 {strides = array<i32>} : memref<4x5x8x128xf32, #tpu.memory_space<vmem>>, vector<1x1x1x16xf32>,
        %mul3A_537 = arith.constant 26 : i32
        %mul3A_538 = arith.muli %scan3A_40, %mul3A_537 : i32
        %add3A_539 = arith.constant 7 : i32
        %add3A_540 = arith.addi %mul3A_538, %add3A_539 : i32
        %get3A_541 = arith.index_cast %add3A_540 : i32 to index
        %get3A_542 = arith.constant 0 : index
        %get3A_543 = tpu.vector_load %arg9[%get3A_541, %get3A_542] {strides = array<i32>} : memref<832x16xf32, #tpu.memory_space<vmem>>, vector<1x16xf32>,
        %get3A_544 = vector.shape_cast %get3A_543 : vector<1x16xf32> to vector<16xf32>
        %get3A_545 = arith.constant 34 : i32
        %get3A_546 = arith.index_cast %get3A_545 : i32 to index
        %get3A_547 = arith.constant 0 : index
        %get3A_548 = tpu.vector_load %arg11[%get3A_546, %get3A_547] {strides = array<i32>} : memref<53x16xf32, #tpu.memory_space<vmem>>, vector<1x16xf32>,
        %get3A_549 = vector.shape_cast %get3A_548 : vector<1x16xf32> to vector<16xf32>
        %add3A_550 = arith.addf %get3A_544, %get3A_549 : vector<16xf32>
        %swap3A_551 = arith.constant 2 : i32
        %swap3A_552 = arith.index_cast %select_n3A : i32 to index
        %swap3A_553 = arith.index_cast %swap3A_551 : i32 to index
        %swap3A_554 = arith.index_cast %select_n3A_70 : i32 to index
        %swap3A_555 = arith.constant 80 : index
        %swap3A_556 = tpu.vector_load %arg10[%swap3A_552, %swap3A_553, %swap3A_554, %swap3A_555] {strides = array<i32>} : memref<4x5x8x128xf32, #tpu.memory_space<vmem>>, vector<1x1x1x16xf32>,
        %swap3A_557 = vector.shape_cast %swap3A_556 : vector<1x1x1x16xf32> to vector<16xf32>
        %swap3A_558 = vector.shape_cast %add3A_550 : vector<16xf32> to vector<1x1x1x16xf32>
        tpu.vector_store %arg10[%swap3A_552, %swap3A_553, %swap3A_554, %swap3A_555], %swap3A_558 {strides = array<i32>} : memref<4x5x8x128xf32, #tpu.memory_space<vmem>>, vector<1x1x1x16xf32>,
        %mul3A_559 = arith.constant 26 : i32
        %mul3A_560 = arith.muli %scan3A_40, %mul3A_559 : i32
        %add3A_561 = arith.constant 8 : i32
        %add3A_562 = arith.addi %mul3A_560, %add3A_561 : i32
        %get3A_563 = arith.index_cast %add3A_562 : i32 to index
        %get3A_564 = arith.constant 0 : index
        %get3A_565 = tpu.vector_load %arg9[%get3A_563, %get3A_564] {strides = array<i32>} : memref<832x16xf32, #tpu.memory_space<vmem>>, vector<1x16xf32>,
        %get3A_566 = vector.shape_cast %get3A_565 : vector<1x16xf32> to vector<16xf32>
        %get3A_567 = arith.constant 35 : i32
        %get3A_568 = arith.index_cast %get3A_567 : i32 to index
        %get3A_569 = arith.constant 0 : index
        %get3A_570 = tpu.vector_load %arg11[%get3A_568, %get3A_569] {strides = array<i32>} : memref<53x16xf32, #tpu.memory_space<vmem>>, vector<1x16xf32>,
        %get3A_571 = vector.shape_cast %get3A_570 : vector<1x16xf32> to vector<16xf32>
        %add3A_572 = arith.addf %get3A_566, %get3A_571 : vector<16xf32>
        %swap3A_573 = arith.constant 2 : i32
        %swap3A_574 = arith.index_cast %select_n3A : i32 to index
        %swap3A_575 = arith.index_cast %swap3A_573 : i32 to index
        %swap3A_576 = arith.index_cast %select_n3A_70 : i32 to index
        %swap3A_577 = arith.constant 96 : index
        %swap3A_578 = tpu.vector_load %arg10[%swap3A_574, %swap3A_575, %swap3A_576, %swap3A_577] {strides = array<i32>} : memref<4x5x8x128xf32, #tpu.memory_space<vmem>>, vector<1x1x1x16xf32>,
        %swap3A_579 = vector.shape_cast %swap3A_578 : vector<1x1x1x16xf32> to vector<16xf32>
        %swap3A_580 = vector.shape_cast %add3A_572 : vector<16xf32> to vector<1x1x1x16xf32>
        tpu.vector_store %arg10[%swap3A_574, %swap3A_575, %swap3A_576, %swap3A_577], %swap3A_580 {strides = array<i32>} : memref<4x5x8x128xf32, #tpu.memory_space<vmem>>, vector<1x1x1x16xf32>,
        %mul3A_581 = arith.constant 26 : i32
        %mul3A_582 = arith.muli %scan3A_40, %mul3A_581 : i32
        %add3A_583 = arith.constant 9 : i32
        %add3A_584 = arith.addi %mul3A_582, %add3A_583 : i32
        %get3A_585 = arith.index_cast %add3A_584 : i32 to index
        %get3A_586 = arith.constant 0 : index
        %get3A_587 = tpu.vector_load %arg9[%get3A_585, %get3A_586] {strides = array<i32>} : memref<832x16xf32, #tpu.memory_space<vmem>>, vector<1x16xf32>,
        %get3A_588 = vector.shape_cast %get3A_587 : vector<1x16xf32> to vector<16xf32>
        %get3A_589 = arith.constant 36 : i32
        %get3A_590 = arith.index_cast %get3A_589 : i32 to index
        %get3A_591 = arith.constant 0 : index
        %get3A_592 = tpu.vector_load %arg11[%get3A_590, %get3A_591] {strides = array<i32>} : memref<53x16xf32, #tpu.memory_space<vmem>>, vector<1x16xf32>,
        %get3A_593 = vector.shape_cast %get3A_592 : vector<1x16xf32> to vector<16xf32>
        %add3A_594 = arith.addf %get3A_588, %get3A_593 : vector<16xf32>
        %swap3A_595 = arith.constant 2 : i32
        %swap3A_596 = arith.index_cast %select_n3A : i32 to index
        %swap3A_597 = arith.index_cast %swap3A_595 : i32 to index
        %swap3A_598 = arith.index_cast %select_n3A_70 : i32 to index
        %swap3A_599 = arith.constant 112 : index
        %swap3A_600 = tpu.vector_load %arg10[%swap3A_596, %swap3A_597, %swap3A_598, %swap3A_599] {strides = array<i32>} : memref<4x5x8x128xf32, #tpu.memory_space<vmem>>, vector<1x1x1x16xf32>,
        %swap3A_601 = vector.shape_cast %swap3A_600 : vector<1x1x1x16xf32> to vector<16xf32>
        %swap3A_602 = vector.shape_cast %add3A_594 : vector<16xf32> to vector<1x1x1x16xf32>
        tpu.vector_store %arg10[%swap3A_596, %swap3A_597, %swap3A_598, %swap3A_599], %swap3A_602 {strides = array<i32>} : memref<4x5x8x128xf32, #tpu.memory_space<vmem>>, vector<1x1x1x16xf32>,
        %mul3A_603 = arith.constant 26 : i32
        %mul3A_604 = arith.muli %scan3A_40, %mul3A_603 : i32
        %add3A_605 = arith.constant 10 : i32
        %add3A_606 = arith.addi %mul3A_604, %add3A_605 : i32
        %get3A_607 = arith.index_cast %add3A_606 : i32 to index
        %get3A_608 = arith.constant 0 : index
        %get3A_609 = tpu.vector_load %arg9[%get3A_607, %get3A_608] {strides = array<i32>} : memref<832x16xf32, #tpu.memory_space<vmem>>, vector<1x16xf32>,
        %get3A_610 = vector.shape_cast %get3A_609 : vector<1x16xf32> to vector<16xf32>
        %get3A_611 = arith.constant 37 : i32
        %get3A_612 = arith.index_cast %get3A_611 : i32 to index
        %get3A_613 = arith.constant 0 : index
        %get3A_614 = tpu.vector_load %arg11[%get3A_612, %get3A_613] {strides = array<i32>} : memref<53x16xf32, #tpu.memory_space<vmem>>, vector<1x16xf32>,
        %get3A_615 = vector.shape_cast %get3A_614 : vector<1x16xf32> to vector<16xf32>
        %add3A_616 = arith.addf %get3A_610, %get3A_615 : vector<16xf32>
        %swap3A_617 = arith.constant 3 : i32
        %swap3A_618 = arith.index_cast %select_n3A : i32 to index
        %swap3A_619 = arith.index_cast %swap3A_617 : i32 to index
        %swap3A_620 = arith.index_cast %select_n3A_70 : i32 to index
        %swap3A_621 = arith.constant 0 : index
        %swap3A_622 = tpu.vector_load %arg10[%swap3A_618, %swap3A_619, %swap3A_620, %swap3A_621] {strides = array<i32>} : memref<4x5x8x128xf32, #tpu.memory_space<vmem>>, vector<1x1x1x16xf32>,
        %swap3A_623 = vector.shape_cast %swap3A_622 : vector<1x1x1x16xf32> to vector<16xf32>
        %swap3A_624 = vector.shape_cast %add3A_616 : vector<16xf32> to vector<1x1x1x16xf32>
        tpu.vector_store %arg10[%swap3A_618, %swap3A_619, %swap3A_620, %swap3A_621], %swap3A_624 {strides = array<i32>} : memref<4x5x8x128xf32, #tpu.memory_space<vmem>>, vector<1x1x1x16xf32>,
        %mul3A_625 = arith.constant 26 : i32
        %mul3A_626 = arith.muli %scan3A_40, %mul3A_625 : i32
        %add3A_627 = arith.constant 11 : i32
        %add3A_628 = arith.addi %mul3A_626, %add3A_627 : i32
        %get3A_629 = arith.index_cast %add3A_628 : i32 to index
        %get3A_630 = arith.constant 0 : index
        %get3A_631 = tpu.vector_load %arg9[%get3A_629, %get3A_630] {strides = array<i32>} : memref<832x16xf32, #tpu.memory_space<vmem>>, vector<1x16xf32>,
        %get3A_632 = vector.shape_cast %get3A_631 : vector<1x16xf32> to vector<16xf32>
        %get3A_633 = arith.constant 38 : i32
        %get3A_634 = arith.index_cast %get3A_633 : i32 to index
        %get3A_635 = arith.constant 0 : index
        %get3A_636 = tpu.vector_load %arg11[%get3A_634, %get3A_635] {strides = array<i32>} : memref<53x16xf32, #tpu.memory_space<vmem>>, vector<1x16xf32>,
        %get3A_637 = vector.shape_cast %get3A_636 : vector<1x16xf32> to vector<16xf32>
        %add3A_638 = arith.addf %get3A_632, %get3A_637 : vector<16xf32>
        %swap3A_639 = arith.constant 3 : i32
        %swap3A_640 = arith.index_cast %select_n3A : i32 to index
        %swap3A_641 = arith.index_cast %swap3A_639 : i32 to index
        %swap3A_642 = arith.index_cast %select_n3A_70 : i32 to index
        %swap3A_643 = arith.constant 16 : index
        %swap3A_644 = tpu.vector_load %arg10[%swap3A_640, %swap3A_641, %swap3A_642, %swap3A_643] {strides = array<i32>} : memref<4x5x8x128xf32, #tpu.memory_space<vmem>>, vector<1x1x1x16xf32>,
        %swap3A_645 = vector.shape_cast %swap3A_644 : vector<1x1x1x16xf32> to vector<16xf32>
        %swap3A_646 = vector.shape_cast %add3A_638 : vector<16xf32> to vector<1x1x1x16xf32>
        tpu.vector_store %arg10[%swap3A_640, %swap3A_641, %swap3A_642, %swap3A_643], %swap3A_646 {strides = array<i32>} : memref<4x5x8x128xf32, #tpu.memory_space<vmem>>, vector<1x1x1x16xf32>,
        %mul3A_647 = arith.constant 26 : i32
        %mul3A_648 = arith.muli %scan3A_40, %mul3A_647 : i32
        %add3A_649 = arith.constant 12 : i32
        %add3A_650 = arith.addi %mul3A_648, %add3A_649 : i32
        %get3A_651 = arith.index_cast %add3A_650 : i32 to index
        %get3A_652 = arith.constant 0 : index
        %get3A_653 = tpu.vector_load %arg9[%get3A_651, %get3A_652] {strides = array<i32>} : memref<832x16xf32, #tpu.memory_space<vmem>>, vector<1x16xf32>,
        %get3A_654 = vector.shape_cast %get3A_653 : vector<1x16xf32> to vector<16xf32>
        %get3A_655 = arith.constant 39 : i32
        %get3A_656 = arith.index_cast %get3A_655 : i32 to index
        %get3A_657 = arith.constant 0 : index
        %get3A_658 = tpu.vector_load %arg11[%get3A_656, %get3A_657] {strides = array<i32>} : memref<53x16xf32, #tpu.memory_space<vmem>>, vector<1x16xf32>,
        %get3A_659 = vector.shape_cast %get3A_658 : vector<1x16xf32> to vector<16xf32>
        %add3A_660 = arith.addf %get3A_654, %get3A_659 : vector<16xf32>
        %swap3A_661 = arith.constant 3 : i32
        %swap3A_662 = arith.index_cast %select_n3A : i32 to index
        %swap3A_663 = arith.index_cast %swap3A_661 : i32 to index
        %swap3A_664 = arith.index_cast %select_n3A_70 : i32 to index
        %swap3A_665 = arith.constant 32 : index
        %swap3A_666 = tpu.vector_load %arg10[%swap3A_662, %swap3A_663, %swap3A_664, %swap3A_665] {strides = array<i32>} : memref<4x5x8x128xf32, #tpu.memory_space<vmem>>, vector<1x1x1x16xf32>,
        %swap3A_667 = vector.shape_cast %swap3A_666 : vector<1x1x1x16xf32> to vector<16xf32>
        %swap3A_668 = vector.shape_cast %add3A_660 : vector<16xf32> to vector<1x1x1x16xf32>
        tpu.vector_store %arg10[%swap3A_662, %swap3A_663, %swap3A_664, %swap3A_665], %swap3A_668 {strides = array<i32>} : memref<4x5x8x128xf32, #tpu.memory_space<vmem>>, vector<1x1x1x16xf32>,
        %mul3A_669 = arith.constant 26 : i32
        %mul3A_670 = arith.muli %scan3A_40, %mul3A_669 : i32
        %add3A_671 = arith.constant 13 : i32
        %add3A_672 = arith.addi %mul3A_670, %add3A_671 : i32
        %get3A_673 = arith.index_cast %add3A_672 : i32 to index
        %get3A_674 = arith.constant 0 : index
        %get3A_675 = tpu.vector_load %arg9[%get3A_673, %get3A_674] {strides = array<i32>} : memref<832x16xf32, #tpu.memory_space<vmem>>, vector<1x16xf32>,
        %get3A_676 = vector.shape_cast %get3A_675 : vector<1x16xf32> to vector<16xf32>
        %get3A_677 = arith.constant 40 : i32
        %get3A_678 = arith.index_cast %get3A_677 : i32 to index
        %get3A_679 = arith.constant 0 : index
        %get3A_680 = tpu.vector_load %arg11[%get3A_678, %get3A_679] {strides = array<i32>} : memref<53x16xf32, #tpu.memory_space<vmem>>, vector<1x16xf32>,
        %get3A_681 = vector.shape_cast %get3A_680 : vector<1x16xf32> to vector<16xf32>
        %add3A_682 = arith.addf %get3A_676, %get3A_681 : vector<16xf32>
        %swap3A_683 = arith.constant 3 : i32
        %swap3A_684 = arith.index_cast %select_n3A : i32 to index
        %swap3A_685 = arith.index_cast %swap3A_683 : i32 to index
        %swap3A_686 = arith.index_cast %select_n3A_70 : i32 to index
        %swap3A_687 = arith.constant 48 : index
        %swap3A_688 = tpu.vector_load %arg10[%swap3A_684, %swap3A_685, %swap3A_686, %swap3A_687] {strides = array<i32>} : memref<4x5x8x128xf32, #tpu.memory_space<vmem>>, vector<1x1x1x16xf32>,
        %swap3A_689 = vector.shape_cast %swap3A_688 : vector<1x1x1x16xf32> to vector<16xf32>
        %swap3A_690 = vector.shape_cast %add3A_682 : vector<16xf32> to vector<1x1x1x16xf32>
        tpu.vector_store %arg10[%swap3A_684, %swap3A_685, %swap3A_686, %swap3A_687], %swap3A_690 {strides = array<i32>} : memref<4x5x8x128xf32, #tpu.memory_space<vmem>>, vector<1x1x1x16xf32>,
        %mul3A_691 = arith.constant 26 : i32
        %mul3A_692 = arith.muli %scan3A_40, %mul3A_691 : i32
        %add3A_693 = arith.constant 14 : i32
        %add3A_694 = arith.addi %mul3A_692, %add3A_693 : i32
        %get3A_695 = arith.index_cast %add3A_694 : i32 to index
        %get3A_696 = arith.constant 0 : index
        %get3A_697 = tpu.vector_load %arg9[%get3A_695, %get3A_696] {strides = array<i32>} : memref<832x16xf32, #tpu.memory_space<vmem>>, vector<1x16xf32>,
        %get3A_698 = vector.shape_cast %get3A_697 : vector<1x16xf32> to vector<16xf32>
        %get3A_699 = arith.constant 41 : i32
        %get3A_700 = arith.index_cast %get3A_699 : i32 to index
        %get3A_701 = arith.constant 0 : index
        %get3A_702 = tpu.vector_load %arg11[%get3A_700, %get3A_701] {strides = array<i32>} : memref<53x16xf32, #tpu.memory_space<vmem>>, vector<1x16xf32>,
        %get3A_703 = vector.shape_cast %get3A_702 : vector<1x16xf32> to vector<16xf32>
        %add3A_704 = arith.addf %get3A_698, %get3A_703 : vector<16xf32>
        %swap3A_705 = arith.constant 3 : i32
        %swap3A_706 = arith.index_cast %select_n3A : i32 to index
        %swap3A_707 = arith.index_cast %swap3A_705 : i32 to index
        %swap3A_708 = arith.index_cast %select_n3A_70 : i32 to index
        %swap3A_709 = arith.constant 64 : index
        %swap3A_710 = tpu.vector_load %arg10[%swap3A_706, %swap3A_707, %swap3A_708, %swap3A_709] {strides = array<i32>} : memref<4x5x8x128xf32, #tpu.memory_space<vmem>>, vector<1x1x1x16xf32>,
        %swap3A_711 = vector.shape_cast %swap3A_710 : vector<1x1x1x16xf32> to vector<16xf32>
        %swap3A_712 = vector.shape_cast %add3A_704 : vector<16xf32> to vector<1x1x1x16xf32>
        tpu.vector_store %arg10[%swap3A_706, %swap3A_707, %swap3A_708, %swap3A_709], %swap3A_712 {strides = array<i32>} : memref<4x5x8x128xf32, #tpu.memory_space<vmem>>, vector<1x1x1x16xf32>,
        %mul3A_713 = arith.constant 26 : i32
        %mul3A_714 = arith.muli %scan3A_40, %mul3A_713 : i32
        %add3A_715 = arith.constant 15 : i32
        %add3A_716 = arith.addi %mul3A_714, %add3A_715 : i32
        %get3A_717 = arith.index_cast %add3A_716 : i32 to index
        %get3A_718 = arith.constant 0 : index
        %get3A_719 = tpu.vector_load %arg9[%get3A_717, %get3A_718] {strides = array<i32>} : memref<832x16xf32, #tpu.memory_space<vmem>>, vector<1x16xf32>,
        %get3A_720 = vector.shape_cast %get3A_719 : vector<1x16xf32> to vector<16xf32>
        %get3A_721 = arith.constant 42 : i32
        %get3A_722 = arith.index_cast %get3A_721 : i32 to index
        %get3A_723 = arith.constant 0 : index
        %get3A_724 = tpu.vector_load %arg11[%get3A_722, %get3A_723] {strides = array<i32>} : memref<53x16xf32, #tpu.memory_space<vmem>>, vector<1x16xf32>,
        %get3A_725 = vector.shape_cast %get3A_724 : vector<1x16xf32> to vector<16xf32>
        %add3A_726 = arith.addf %get3A_720, %get3A_725 : vector<16xf32>
        %swap3A_727 = arith.constant 3 : i32
        %swap3A_728 = arith.index_cast %select_n3A : i32 to index
        %swap3A_729 = arith.index_cast %swap3A_727 : i32 to index
        %swap3A_730 = arith.index_cast %select_n3A_70 : i32 to index
        %swap3A_731 = arith.constant 80 : index
        %swap3A_732 = tpu.vector_load %arg10[%swap3A_728, %swap3A_729, %swap3A_730, %swap3A_731] {strides = array<i32>} : memref<4x5x8x128xf32, #tpu.memory_space<vmem>>, vector<1x1x1x16xf32>,
        %swap3A_733 = vector.shape_cast %swap3A_732 : vector<1x1x1x16xf32> to vector<16xf32>
        %swap3A_734 = vector.shape_cast %add3A_726 : vector<16xf32> to vector<1x1x1x16xf32>
        tpu.vector_store %arg10[%swap3A_728, %swap3A_729, %swap3A_730, %swap3A_731], %swap3A_734 {strides = array<i32>} : memref<4x5x8x128xf32, #tpu.memory_space<vmem>>, vector<1x1x1x16xf32>,
        %mul3A_735 = arith.constant 26 : i32
        %mul3A_736 = arith.muli %scan3A_40, %mul3A_735 : i32
        %add3A_737 = arith.constant 16 : i32
        %add3A_738 = arith.addi %mul3A_736, %add3A_737 : i32
        %get3A_739 = arith.index_cast %add3A_738 : i32 to index
        %get3A_740 = arith.constant 0 : index
        %get3A_741 = tpu.vector_load %arg9[%get3A_739, %get3A_740] {strides = array<i32>} : memref<832x16xf32, #tpu.memory_space<vmem>>, vector<1x16xf32>,
        %get3A_742 = vector.shape_cast %get3A_741 : vector<1x16xf32> to vector<16xf32>
        %get3A_743 = arith.constant 43 : i32
        %get3A_744 = arith.index_cast %get3A_743 : i32 to index
        %get3A_745 = arith.constant 0 : index
        %get3A_746 = tpu.vector_load %arg11[%get3A_744, %get3A_745] {strides = array<i32>} : memref<53x16xf32, #tpu.memory_space<vmem>>, vector<1x16xf32>,
        %get3A_747 = vector.shape_cast %get3A_746 : vector<1x16xf32> to vector<16xf32>
        %add3A_748 = arith.addf %get3A_742, %get3A_747 : vector<16xf32>
        %swap3A_749 = arith.constant 3 : i32
        %swap3A_750 = arith.index_cast %select_n3A : i32 to index
        %swap3A_751 = arith.index_cast %swap3A_749 : i32 to index
        %swap3A_752 = arith.index_cast %select_n3A_70 : i32 to index
        %swap3A_753 = arith.constant 96 : index
        %swap3A_754 = tpu.vector_load %arg10[%swap3A_750, %swap3A_751, %swap3A_752, %swap3A_753] {strides = array<i32>} : memref<4x5x8x128xf32, #tpu.memory_space<vmem>>, vector<1x1x1x16xf32>,
        %swap3A_755 = vector.shape_cast %swap3A_754 : vector<1x1x1x16xf32> to vector<16xf32>
        %swap3A_756 = vector.shape_cast %add3A_748 : vector<16xf32> to vector<1x1x1x16xf32>
        tpu.vector_store %arg10[%swap3A_750, %swap3A_751, %swap3A_752, %swap3A_753], %swap3A_756 {strides = array<i32>} : memref<4x5x8x128xf32, #tpu.memory_space<vmem>>, vector<1x1x1x16xf32>,
        %mul3A_757 = arith.constant 26 : i32
        %mul3A_758 = arith.muli %scan3A_40, %mul3A_757 : i32
        %add3A_759 = arith.constant 17 : i32
        %add3A_760 = arith.addi %mul3A_758, %add3A_759 : i32
        %get3A_761 = arith.index_cast %add3A_760 : i32 to index
        %get3A_762 = arith.constant 0 : index
        %get3A_763 = tpu.vector_load %arg9[%get3A_761, %get3A_762] {strides = array<i32>} : memref<832x16xf32, #tpu.memory_space<vmem>>, vector<1x16xf32>,
        %get3A_764 = vector.shape_cast %get3A_763 : vector<1x16xf32> to vector<16xf32>
        %get3A_765 = arith.constant 44 : i32
        %get3A_766 = arith.index_cast %get3A_765 : i32 to index
        %get3A_767 = arith.constant 0 : index
        %get3A_768 = tpu.vector_load %arg11[%get3A_766, %get3A_767] {strides = array<i32>} : memref<53x16xf32, #tpu.memory_space<vmem>>, vector<1x16xf32>,
        %get3A_769 = vector.shape_cast %get3A_768 : vector<1x16xf32> to vector<16xf32>
        %add3A_770 = arith.addf %get3A_764, %get3A_769 : vector<16xf32>
        %swap3A_771 = arith.constant 3 : i32
        %swap3A_772 = arith.index_cast %select_n3A : i32 to index
        %swap3A_773 = arith.index_cast %swap3A_771 : i32 to index
        %swap3A_774 = arith.index_cast %select_n3A_70 : i32 to index
        %swap3A_775 = arith.constant 112 : index
        %swap3A_776 = tpu.vector_load %arg10[%swap3A_772, %swap3A_773, %swap3A_774, %swap3A_775] {strides = array<i32>} : memref<4x5x8x128xf32, #tpu.memory_space<vmem>>, vector<1x1x1x16xf32>,
        %swap3A_777 = vector.shape_cast %swap3A_776 : vector<1x1x1x16xf32> to vector<16xf32>
        %swap3A_778 = vector.shape_cast %add3A_770 : vector<16xf32> to vector<1x1x1x16xf32>
        tpu.vector_store %arg10[%swap3A_772, %swap3A_773, %swap3A_774, %swap3A_775], %swap3A_778 {strides = array<i32>} : memref<4x5x8x128xf32, #tpu.memory_space<vmem>>, vector<1x1x1x16xf32>,
        %mul3A_779 = arith.constant 26 : i32
        %mul3A_780 = arith.muli %scan3A_40, %mul3A_779 : i32
        %add3A_781 = arith.constant 18 : i32
        %add3A_782 = arith.addi %mul3A_780, %add3A_781 : i32
        %get3A_783 = arith.index_cast %add3A_782 : i32 to index
        %get3A_784 = arith.constant 0 : index
        %get3A_785 = tpu.vector_load %arg9[%get3A_783, %get3A_784] {strides = array<i32>} : memref<832x16xf32, #tpu.memory_space<vmem>>, vector<1x16xf32>,
        %get3A_786 = vector.shape_cast %get3A_785 : vector<1x16xf32> to vector<16xf32>
        %get3A_787 = arith.constant 45 : i32
        %get3A_788 = arith.index_cast %get3A_787 : i32 to index
        %get3A_789 = arith.constant 0 : index
        %get3A_790 = tpu.vector_load %arg11[%get3A_788, %get3A_789] {strides = array<i32>} : memref<53x16xf32, #tpu.memory_space<vmem>>, vector<1x16xf32>,
        %get3A_791 = vector.shape_cast %get3A_790 : vector<1x16xf32> to vector<16xf32>
        %add3A_792 = arith.addf %get3A_786, %get3A_791 : vector<16xf32>
        %swap3A_793 = arith.constant 4 : i32
        %swap3A_794 = arith.index_cast %select_n3A : i32 to index
        %swap3A_795 = arith.index_cast %swap3A_793 : i32 to index
        %swap3A_796 = arith.index_cast %select_n3A_70 : i32 to index
        %swap3A_797 = arith.constant 0 : index
        %swap3A_798 = tpu.vector_load %arg10[%swap3A_794, %swap3A_795, %swap3A_796, %swap3A_797] {strides = array<i32>} : memref<4x5x8x128xf32, #tpu.memory_space<vmem>>, vector<1x1x1x16xf32>,
        %swap3A_799 = vector.shape_cast %swap3A_798 : vector<1x1x1x16xf32> to vector<16xf32>
        %swap3A_800 = vector.shape_cast %add3A_792 : vector<16xf32> to vector<1x1x1x16xf32>
        tpu.vector_store %arg10[%swap3A_794, %swap3A_795, %swap3A_796, %swap3A_797], %swap3A_800 {strides = array<i32>} : memref<4x5x8x128xf32, #tpu.memory_space<vmem>>, vector<1x1x1x16xf32>,
        %mul3A_801 = arith.constant 26 : i32
        %mul3A_802 = arith.muli %scan3A_40, %mul3A_801 : i32
        %add3A_803 = arith.constant 19 : i32
        %add3A_804 = arith.addi %mul3A_802, %add3A_803 : i32
        %get3A_805 = arith.index_cast %add3A_804 : i32 to index
        %get3A_806 = arith.constant 0 : index
        %get3A_807 = tpu.vector_load %arg9[%get3A_805, %get3A_806] {strides = array<i32>} : memref<832x16xf32, #tpu.memory_space<vmem>>, vector<1x16xf32>,
        %get3A_808 = vector.shape_cast %get3A_807 : vector<1x16xf32> to vector<16xf32>
        %get3A_809 = arith.constant 46 : i32
        %get3A_810 = arith.index_cast %get3A_809 : i32 to index
        %get3A_811 = arith.constant 0 : index
        %get3A_812 = tpu.vector_load %arg11[%get3A_810, %get3A_811] {strides = array<i32>} : memref<53x16xf32, #tpu.memory_space<vmem>>, vector<1x16xf32>,
        %get3A_813 = vector.shape_cast %get3A_812 : vector<1x16xf32> to vector<16xf32>
        %add3A_814 = arith.addf %get3A_808, %get3A_813 : vector<16xf32>
        %swap3A_815 = arith.constant 4 : i32
        %swap3A_816 = arith.index_cast %select_n3A : i32 to index
        %swap3A_817 = arith.index_cast %swap3A_815 : i32 to index
        %swap3A_818 = arith.index_cast %select_n3A_70 : i32 to index
        %swap3A_819 = arith.constant 16 : index
        %swap3A_820 = tpu.vector_load %arg10[%swap3A_816, %swap3A_817, %swap3A_818, %swap3A_819] {strides = array<i32>} : memref<4x5x8x128xf32, #tpu.memory_space<vmem>>, vector<1x1x1x16xf32>,
        %swap3A_821 = vector.shape_cast %swap3A_820 : vector<1x1x1x16xf32> to vector<16xf32>
        %swap3A_822 = vector.shape_cast %add3A_814 : vector<16xf32> to vector<1x1x1x16xf32>
        tpu.vector_store %arg10[%swap3A_816, %swap3A_817, %swap3A_818, %swap3A_819], %swap3A_822 {strides = array<i32>} : memref<4x5x8x128xf32, #tpu.memory_space<vmem>>, vector<1x1x1x16xf32>,
        %mul3A_823 = arith.constant 26 : i32
        %mul3A_824 = arith.muli %scan3A_40, %mul3A_823 : i32
        %add3A_825 = arith.constant 20 : i32
        %add3A_826 = arith.addi %mul3A_824, %add3A_825 : i32
        %get3A_827 = arith.index_cast %add3A_826 : i32 to index
        %get3A_828 = arith.constant 0 : index
        %get3A_829 = tpu.vector_load %arg9[%get3A_827, %get3A_828] {strides = array<i32>} : memref<832x16xf32, #tpu.memory_space<vmem>>, vector<1x16xf32>,
        %get3A_830 = vector.shape_cast %get3A_829 : vector<1x16xf32> to vector<16xf32>
        %get3A_831 = arith.constant 47 : i32
        %get3A_832 = arith.index_cast %get3A_831 : i32 to index
        %get3A_833 = arith.constant 0 : index
        %get3A_834 = tpu.vector_load %arg11[%get3A_832, %get3A_833] {strides = array<i32>} : memref<53x16xf32, #tpu.memory_space<vmem>>, vector<1x16xf32>,
        %get3A_835 = vector.shape_cast %get3A_834 : vector<1x16xf32> to vector<16xf32>
        %add3A_836 = arith.addf %get3A_830, %get3A_835 : vector<16xf32>
        %swap3A_837 = arith.constant 4 : i32
        %swap3A_838 = arith.index_cast %select_n3A : i32 to index
        %swap3A_839 = arith.index_cast %swap3A_837 : i32 to index
        %swap3A_840 = arith.index_cast %select_n3A_70 : i32 to index
        %swap3A_841 = arith.constant 32 : index
        %swap3A_842 = tpu.vector_load %arg10[%swap3A_838, %swap3A_839, %swap3A_840, %swap3A_841] {strides = array<i32>} : memref<4x5x8x128xf32, #tpu.memory_space<vmem>>, vector<1x1x1x16xf32>,
        %swap3A_843 = vector.shape_cast %swap3A_842 : vector<1x1x1x16xf32> to vector<16xf32>
        %swap3A_844 = vector.shape_cast %add3A_836 : vector<16xf32> to vector<1x1x1x16xf32>
        tpu.vector_store %arg10[%swap3A_838, %swap3A_839, %swap3A_840, %swap3A_841], %swap3A_844 {strides = array<i32>} : memref<4x5x8x128xf32, #tpu.memory_space<vmem>>, vector<1x1x1x16xf32>,
        %mul3A_845 = arith.constant 26 : i32
        %mul3A_846 = arith.muli %scan3A_40, %mul3A_845 : i32
        %add3A_847 = arith.constant 21 : i32
        %add3A_848 = arith.addi %mul3A_846, %add3A_847 : i32
        %get3A_849 = arith.index_cast %add3A_848 : i32 to index
        %get3A_850 = arith.constant 0 : index
        %get3A_851 = tpu.vector_load %arg9[%get3A_849, %get3A_850] {strides = array<i32>} : memref<832x16xf32, #tpu.memory_space<vmem>>, vector<1x16xf32>,
        %get3A_852 = vector.shape_cast %get3A_851 : vector<1x16xf32> to vector<16xf32>
        %get3A_853 = arith.constant 48 : i32
        %get3A_854 = arith.index_cast %get3A_853 : i32 to index
        %get3A_855 = arith.constant 0 : index
        %get3A_856 = tpu.vector_load %arg11[%get3A_854, %get3A_855] {strides = array<i32>} : memref<53x16xf32, #tpu.memory_space<vmem>>, vector<1x16xf32>,
        %get3A_857 = vector.shape_cast %get3A_856 : vector<1x16xf32> to vector<16xf32>
        %add3A_858 = arith.addf %get3A_852, %get3A_857 : vector<16xf32>
        %swap3A_859 = arith.constant 4 : i32
        %swap3A_860 = arith.index_cast %select_n3A : i32 to index
        %swap3A_861 = arith.index_cast %swap3A_859 : i32 to index
        %swap3A_862 = arith.index_cast %select_n3A_70 : i32 to index
        %swap3A_863 = arith.constant 48 : index
        %swap3A_864 = tpu.vector_load %arg10[%swap3A_860, %swap3A_861, %swap3A_862, %swap3A_863] {strides = array<i32>} : memref<4x5x8x128xf32, #tpu.memory_space<vmem>>, vector<1x1x1x16xf32>,
        %swap3A_865 = vector.shape_cast %swap3A_864 : vector<1x1x1x16xf32> to vector<16xf32>
        %swap3A_866 = vector.shape_cast %add3A_858 : vector<16xf32> to vector<1x1x1x16xf32>
        tpu.vector_store %arg10[%swap3A_860, %swap3A_861, %swap3A_862, %swap3A_863], %swap3A_866 {strides = array<i32>} : memref<4x5x8x128xf32, #tpu.memory_space<vmem>>, vector<1x1x1x16xf32>,
        %mul3A_867 = arith.constant 26 : i32
        %mul3A_868 = arith.muli %scan3A_40, %mul3A_867 : i32
        %add3A_869 = arith.constant 22 : i32
        %add3A_870 = arith.addi %mul3A_868, %add3A_869 : i32
        %get3A_871 = arith.index_cast %add3A_870 : i32 to index
        %get3A_872 = arith.constant 0 : index
        %get3A_873 = tpu.vector_load %arg9[%get3A_871, %get3A_872] {strides = array<i32>} : memref<832x16xf32, #tpu.memory_space<vmem>>, vector<1x16xf32>,
        %get3A_874 = vector.shape_cast %get3A_873 : vector<1x16xf32> to vector<16xf32>
        %get3A_875 = arith.constant 49 : i32
        %get3A_876 = arith.index_cast %get3A_875 : i32 to index
        %get3A_877 = arith.constant 0 : index
        %get3A_878 = tpu.vector_load %arg11[%get3A_876, %get3A_877] {strides = array<i32>} : memref<53x16xf32, #tpu.memory_space<vmem>>, vector<1x16xf32>,
        %get3A_879 = vector.shape_cast %get3A_878 : vector<1x16xf32> to vector<16xf32>
        %add3A_880 = arith.addf %get3A_874, %get3A_879 : vector<16xf32>
        %swap3A_881 = arith.constant 4 : i32
        %swap3A_882 = arith.index_cast %select_n3A : i32 to index
        %swap3A_883 = arith.index_cast %swap3A_881 : i32 to index
        %swap3A_884 = arith.index_cast %select_n3A_70 : i32 to index
        %swap3A_885 = arith.constant 64 : index
        %swap3A_886 = tpu.vector_load %arg10[%swap3A_882, %swap3A_883, %swap3A_884, %swap3A_885] {strides = array<i32>} : memref<4x5x8x128xf32, #tpu.memory_space<vmem>>, vector<1x1x1x16xf32>,
        %swap3A_887 = vector.shape_cast %swap3A_886 : vector<1x1x1x16xf32> to vector<16xf32>
        %swap3A_888 = vector.shape_cast %add3A_880 : vector<16xf32> to vector<1x1x1x16xf32>
        tpu.vector_store %arg10[%swap3A_882, %swap3A_883, %swap3A_884, %swap3A_885], %swap3A_888 {strides = array<i32>} : memref<4x5x8x128xf32, #tpu.memory_space<vmem>>, vector<1x1x1x16xf32>,
        %mul3A_889 = arith.constant 26 : i32
        %mul3A_890 = arith.muli %scan3A_40, %mul3A_889 : i32
        %add3A_891 = arith.constant 23 : i32
        %add3A_892 = arith.addi %mul3A_890, %add3A_891 : i32
        %get3A_893 = arith.index_cast %add3A_892 : i32 to index
        %get3A_894 = arith.constant 0 : index
        %get3A_895 = tpu.vector_load %arg9[%get3A_893, %get3A_894] {strides = array<i32>} : memref<832x16xf32, #tpu.memory_space<vmem>>, vector<1x16xf32>,
        %get3A_896 = vector.shape_cast %get3A_895 : vector<1x16xf32> to vector<16xf32>
        %get3A_897 = arith.constant 50 : i32
        %get3A_898 = arith.index_cast %get3A_897 : i32 to index
        %get3A_899 = arith.constant 0 : index
        %get3A_900 = tpu.vector_load %arg11[%get3A_898, %get3A_899] {strides = array<i32>} : memref<53x16xf32, #tpu.memory_space<vmem>>, vector<1x16xf32>,
        %get3A_901 = vector.shape_cast %get3A_900 : vector<1x16xf32> to vector<16xf32>
        %add3A_902 = arith.addf %get3A_896, %get3A_901 : vector<16xf32>
        %swap3A_903 = arith.constant 4 : i32
        %swap3A_904 = arith.index_cast %select_n3A : i32 to index
        %swap3A_905 = arith.index_cast %swap3A_903 : i32 to index
        %swap3A_906 = arith.index_cast %select_n3A_70 : i32 to index
        %swap3A_907 = arith.constant 80 : index
        %swap3A_908 = tpu.vector_load %arg10[%swap3A_904, %swap3A_905, %swap3A_906, %swap3A_907] {strides = array<i32>} : memref<4x5x8x128xf32, #tpu.memory_space<vmem>>, vector<1x1x1x16xf32>,
        %swap3A_909 = vector.shape_cast %swap3A_908 : vector<1x1x1x16xf32> to vector<16xf32>
        %swap3A_910 = vector.shape_cast %add3A_902 : vector<16xf32> to vector<1x1x1x16xf32>
        tpu.vector_store %arg10[%swap3A_904, %swap3A_905, %swap3A_906, %swap3A_907], %swap3A_910 {strides = array<i32>} : memref<4x5x8x128xf32, #tpu.memory_space<vmem>>, vector<1x1x1x16xf32>,
        %mul3A_911 = arith.constant 26 : i32
        %mul3A_912 = arith.muli %scan3A_40, %mul3A_911 : i32
        %add3A_913 = arith.constant 24 : i32
        %add3A_914 = arith.addi %mul3A_912, %add3A_913 : i32
        %get3A_915 = arith.index_cast %add3A_914 : i32 to index
        %get3A_916 = arith.constant 0 : index
        %get3A_917 = tpu.vector_load %arg9[%get3A_915, %get3A_916] {strides = array<i32>} : memref<832x16xf32, #tpu.memory_space<vmem>>, vector<1x16xf32>,
        %get3A_918 = vector.shape_cast %get3A_917 : vector<1x16xf32> to vector<16xf32>
        %get3A_919 = arith.constant 51 : i32
        %get3A_920 = arith.index_cast %get3A_919 : i32 to index
        %get3A_921 = arith.constant 0 : index
        %get3A_922 = tpu.vector_load %arg11[%get3A_920, %get3A_921] {strides = array<i32>} : memref<53x16xf32, #tpu.memory_space<vmem>>, vector<1x16xf32>,
        %get3A_923 = vector.shape_cast %get3A_922 : vector<1x16xf32> to vector<16xf32>
        %add3A_924 = arith.addf %get3A_918, %get3A_923 : vector<16xf32>
        %swap3A_925 = arith.constant 4 : i32
        %swap3A_926 = arith.index_cast %select_n3A : i32 to index
        %swap3A_927 = arith.index_cast %swap3A_925 : i32 to index
        %swap3A_928 = arith.index_cast %select_n3A_70 : i32 to index
        %swap3A_929 = arith.constant 96 : index
        %swap3A_930 = tpu.vector_load %arg10[%swap3A_926, %swap3A_927, %swap3A_928, %swap3A_929] {strides = array<i32>} : memref<4x5x8x128xf32, #tpu.memory_space<vmem>>, vector<1x1x1x16xf32>,
        %swap3A_931 = vector.shape_cast %swap3A_930 : vector<1x1x1x16xf32> to vector<16xf32>
        %swap3A_932 = vector.shape_cast %add3A_924 : vector<16xf32> to vector<1x1x1x16xf32>
        tpu.vector_store %arg10[%swap3A_926, %swap3A_927, %swap3A_928, %swap3A_929], %swap3A_932 {strides = array<i32>} : memref<4x5x8x128xf32, #tpu.memory_space<vmem>>, vector<1x1x1x16xf32>,
        %mul3A_933 = arith.constant 26 : i32
        %mul3A_934 = arith.muli %scan3A_40, %mul3A_933 : i32
        %add3A_935 = arith.constant 25 : i32
        %add3A_936 = arith.addi %mul3A_934, %add3A_935 : i32
        %get3A_937 = arith.index_cast %add3A_936 : i32 to index
        %get3A_938 = arith.constant 0 : index
        %get3A_939 = tpu.vector_load %arg9[%get3A_937, %get3A_938] {strides = array<i32>} : memref<832x16xf32, #tpu.memory_space<vmem>>, vector<1x16xf32>,
        %get3A_940 = vector.shape_cast %get3A_939 : vector<1x16xf32> to vector<16xf32>
        %get3A_941 = arith.constant 52 : i32
        %get3A_942 = arith.index_cast %get3A_941 : i32 to index
        %get3A_943 = arith.constant 0 : index
        %get3A_944 = tpu.vector_load %arg11[%get3A_942, %get3A_943] {strides = array<i32>} : memref<53x16xf32, #tpu.memory_space<vmem>>, vector<1x16xf32>,
        %get3A_945 = vector.shape_cast %get3A_944 : vector<1x16xf32> to vector<16xf32>
        %add3A_946 = arith.addf %get3A_940, %get3A_945 : vector<16xf32>
        %swap3A_947 = arith.constant 4 : i32
        %swap3A_948 = arith.index_cast %select_n3A : i32 to index
        %swap3A_949 = arith.index_cast %swap3A_947 : i32 to index
        %swap3A_950 = arith.index_cast %select_n3A_70 : i32 to index
        %swap3A_951 = arith.constant 112 : index
        %swap3A_952 = tpu.vector_load %arg10[%swap3A_948, %swap3A_949, %swap3A_950, %swap3A_951] {strides = array<i32>} : memref<4x5x8x128xf32, #tpu.memory_space<vmem>>, vector<1x1x1x16xf32>,
        %swap3A_953 = vector.shape_cast %swap3A_952 : vector<1x1x1x16xf32> to vector<16xf32>
        %swap3A_954 = vector.shape_cast %add3A_946 : vector<16xf32> to vector<1x1x1x16xf32>
        tpu.vector_store %arg10[%swap3A_948, %swap3A_949, %swap3A_950, %swap3A_951], %swap3A_954 {strides = array<i32>} : memref<4x5x8x128xf32, #tpu.memory_space<vmem>>, vector<1x1x1x16xf32>,
      }
      %scan3A_34 = arith.constant 32 : i32
      %mul3A_35 = arith.constant 64 : i32
      %mul3A_36 = arith.muli %add3A, %mul3A_35 : i32
      %mul3A_37 = arith.constant 4 : i32
      %mul3A_38 = arith.muli %scan3A_6, %mul3A_37 : i32
      %add3A_39 = arith.addi %mul3A_36, %mul3A_38 : i32
      "tpu.region"() ({
        %run_scoped3A = tpu.sem_alloc : memref<!tpu.dma_semaphore, #tpu.memory_space<semaphore_mem>>
        %dma_start3A = arith.constant 0 : i32
        %dma_start3A_40 = arith.constant 0 : i32
        %dma_start3A_41 = arith.constant 0 : i32
        %dma_start3A_42 = tpu.memref_slice %arg6[%add3A_39, %dma_start3A, %dma_start3A_40, %dma_start3A_41] : memref<2048x5x8x128xf32, #tpu.memory_space<hbm>> -> memref<4x5x8x128xf32, #tpu.memory_space<hbm>>
        %dma_start3A_43 = arith.constant 0 : i32
        %dma_start3A_44 = arith.constant 0 : i32
        %dma_start3A_45 = arith.constant 0 : i32
        %dma_start3A_46 = tpu.memref_slice %arg6[%add3A_39, %dma_start3A_43, %dma_start3A_44, %dma_start3A_45] : memref<2048x5x8x128xf32, #tpu.memory_space<hbm>> -> memref<4x5x8x128xf32, #tpu.memory_space<hbm>>
        tpu.enqueue_dma source(%arg10 : memref<4x5x8x128xf32, #tpu.memory_space<vmem>>) target(%dma_start3A_46 : memref<4x5x8x128xf32, #tpu.memory_space<hbm>>) target_semaphore(%run_scoped3A : memref<!tpu.dma_semaphore, #tpu.memory_space<semaphore_mem>>)
        %dma_wait3A = arith.constant 0 : i32
        %dma_wait3A_47 = arith.constant 0 : i32
        %dma_wait3A_48 = arith.constant 0 : i32
        %dma_wait3A_49 = tpu.memref_slice %arg6[%add3A_39, %dma_wait3A, %dma_wait3A_47, %dma_wait3A_48] : memref<2048x5x8x128xf32, #tpu.memory_space<hbm>> -> memref<4x5x8x128xf32, #tpu.memory_space<hbm>>
        %dma_wait3A_50 = arith.constant 0 : i32
        %dma_wait3A_51 = arith.constant 0 : i32
        %dma_wait3A_52 = arith.constant 0 : i32
        %dma_wait3A_53 = tpu.memref_slice %arg6[%add3A_39, %dma_wait3A_50, %dma_wait3A_51, %dma_wait3A_52] : memref<2048x5x8x128xf32, #tpu.memory_space<hbm>> -> memref<4x5x8x128xf32, #tpu.memory_space<hbm>>
        tpu.wait_dma2 semaphore(%run_scoped3A : memref<!tpu.dma_semaphore, #tpu.memory_space<semaphore_mem>>) src(%arg10 : memref<4x5x8x128xf32, #tpu.memory_space<vmem>>) dst(%dma_wait3A_53 : memref<4x5x8x128xf32, #tpu.memory_space<hbm>>)
        tpu.yield
      }) : () -> ()
    }
    %scan3A_5 = arith.constant 16 : i32
    return
  }
}

</mosaic_0001>

<sc_bundles>
// kernel: _tokenize.3.cloned.1.call-start
scs
__scs_entry_jumppad:
0x0: {  	(pc) =	sbr.rel $0x88, $3  }
0x1: {  	(tag) =	ssettag $0x0;
	lr =	simm.s32 $0x1  }
0x2: {  	[smem:$0x3F9D] =	sst lr;
	_ =	strace $0xD0000000  }
0x3: {  	_ = 	snop  }
0x4: {  	_ = 	snop  }
0x5: {  	_ = 	snop  }
0x6: {  	_ = 	snop  }
0x7: {  	_ = 	snop  }
__scs_overlays_trampoline_lowered:
0x8: {  	[smem:$0x3FAC] =	sst s0  }
0x9: {  	[smem:$0x3FAD] =	sst s1  }
0xa: {  	[smem:$0x3FAE] =	sst s2  }
0xb: {  	[smem:$0x3FAF] =	sst s3  }
0xc: {  	[smem:$0x3FB0] =	sst s4  }
0xd: {  	[smem:$0x3FB1] =	sst s5  }
0xe: {  	[smem:$0x3FB2] =	sst s6  }
0xf: {  	[smem:$0x3FB3] =	sst s7  }
0x10: {  	[smem:$0x3FB4] =	sst s8  }
0x11: {  	[smem:$0x3FB5] =	sst s9;
	s0 =	simm.s32 @!p0 $0x0  }
0x12: {  	s1 =	sld [smem:$0x3F9B];
	s0 =	simm.s32 @p0 $0x1  }
0x13: {  	[smem:$0x3FB6] =	sst s0;
	s0 =	simm.s32 @!p1 $0x0  }
0x14: {  	s2 =	sld [smem:$0x3F9A];
	s0 =	simm.s32 @p1 $0x1  }
0x15: {  	[smem:$0x3FB7] =	sst s0;
	s0 =	simm.s32 @!p2 $0x0  }
0x16: {  	s3 =	sld [smem:$0x3FDB];
	s0 =	simm.s32 @p2 $0x1  }
0x17: {  	s4 =	simm.s32 $0x1BF5;
	[smem:$0x3FB9] =	sst s0  }
0x18: {  	s0 =	sld [smem:$0x3F9C];
	_ =	swait.ge [sflag:s4], $0x0  }
0x19: {  	s7 =	sld [smem:$0x3F9D]  }
0x1a: {  	s8 =	sadd.s32 $0xFFFFE003, lr  }
0x1b: {  	s9 =	sadd.s32 $0xFFFFFEF7, lr;
	s5 =	simm.s32 $0xFFFFFFFF;
	p2 =	slt.u32 s8, $0xFFFFF086  }
0x1c: {  	p1 =	slt.u32 s9, $0xF7A;
	s5 =	simm.s32 @!p2 $0x0  }
0x1d: {  	s5 =	simm.s32 @p1 $0x1;
	p0 =	seq.s32 s7, s2  }
0x1e: {  	s7 =	smul.u32 @!p0 $0xF7A, s2;
	p2 =	seq.s32 @!p0 s5, $0x0  }
0x1f: {  	s9 =	smul.u32 $0xF7A, s1;
	s8 =	simm.s32 @!p0 $0x1BF5;
	p2 =	por !p2, p0  }
0x20: {  	[sflag:s8] =	ssyncset.s32 @!p0 $0xFFFFF086;
	s6 =	sadd.s32 @!p0 s3, s7;
	s7 =	simm.s32 @!p0 $0x108  }
0x21: {  	s3 =	sadd.s32 s3, s9;
	s6 =	sadd.s32 @!p0 $0x88, s6;
	s7 =	simm.s32 @p2 $0x1082  }
0x22: {  	[simem:s7], [sflag:s8] =	dma.local @!p0 [hbm:s6], $0xF7A  }
0x23: {  	s9 =	sor.u32 $0xD0000000, s2;
	s6 =	simm.s32 $0x108;
	_ =	swait.ge @!p0 [sflag:s8], $0x0  }
0x24: {  	s3 =	sadd.s32 $0x88, s3;
	s6 =	simm.s32 @!p1 $0x1082;
	[sflag:s4] =	ssyncset.s32 $0xFFFFF086  }
0x25: {  	[simem:s6], [sflag:s4] =	dma.local [hbm:s3], $0xF7A  }
0x26: {  	[smem:$0x3F9D] =	sst s1;
	(tag) =	ssettag s2;
	_ =	strace s9  }
0x27: {  	s1 =	sld [smem:$0x3FAD]  }
0x28: {  	s2 =	sld [smem:$0x3FAE]  }
0x29: {  	s4 =	sld [smem:$0x3FB0]  }
0x2a: {  	p0 =	seq.s32 s5, $0x0;
	s5 =	sld [smem:$0x3FB1]  }
0x2b: {  	s6 =	sld [smem:$0x3FB2]  }
0x2c: {  	s7 =	sld [smem:$0x3FB3]  }
0x2d: {  	s3 =	simm.s32 $0x108;
	s8 =	sld [smem:$0x3FB4]  }
0x2e: {  	s3 =	simm.s32 @!p0 $0x1082;
	s9 =	sld [smem:$0x3FB5]  }
0x2f: {  	lr =	sadd.s32 s0, s3;
	s0 =	sld [smem:$0x3FAC]  }
0x30: {  	s3 =	sld [smem:$0x3FAF]  }
0x31: {  	[smem:$0x3FB8] =	sst s10  }
0x32: {  	s10 =	sld [smem:$0x3FB6];
	_ =	sdelay $0x3  }
0x33: {  	p0 =	seq.s32 s10, $0x1;
	s10 =	sld [smem:$0x3FB8];
	_ =	sdelay $0x3  }
0x34: {  	[smem:$0x3FB8] =	sst s10  }
0x35: {  	s10 =	sld [smem:$0x3FB7];
	_ =	sdelay $0x3  }
0x36: {  	p1 =	seq.s32 s10, $0x1;
	s10 =	sld [smem:$0x3FB8];
	_ =	sdelay $0x3  }
0x37: {  	[smem:$0x3FB8] =	sst s10  }
0x38: {  	s10 =	sld [smem:$0x3FB9]  }
0x39: {  	_ = 	snop;
	(pc) =	sbr.ind lr, $3  }
0x3a: {  	_ = 	snop  }
0x3b: {  	_ = 	snop  }
0x3c: {  	p2 =	seq.s32 s10, $0x1;
	s10 =	sld [smem:$0x3FB8]  }
0x3d: {  	_ =	shalt  }
0x3e: {  	_ =	shalt  }
0x3f: {  	_ =	shalt  }
0x40: {  	_ =	shalt  }
0x41: {  	_ =	shalt  }
0x42: {  	_ =	shalt  }
0x43: {  	_ =	shalt  }
0x44: {  	_ =	shalt  }
0x45: {  	_ =	shalt  }
0x46: {  	_ =	shalt  }
0x47: {  	_ =	shalt  }
0x48: {  	_ =	shalt  }
0x49: {  	_ =	shalt  }
0x4a: {  	_ =	shalt  }
0x4b: {  	_ =	shalt  }
0x4c: {  	_ =	shalt  }
0x4d: {  	_ =	shalt  }
0x4e: {  	_ =	shalt  }
0x4f: {  	_ =	shalt  }
0x50: {  	_ =	shalt  }
0x51: {  	_ =	shalt  }
0x52: {  	_ =	shalt  }
0x53: {  	_ =	shalt  }
0x54: {  	_ =	shalt  }
0x55: {  	_ =	shalt  }
0x56: {  	_ =	shalt  }
0x57: {  	_ =	shalt  }
0x58: {  	_ =	shalt  }
0x59: {  	_ =	shalt  }
0x5a: {  	_ =	shalt  }
0x5b: {  	_ =	shalt  }
0x5c: {  	_ =	shalt  }
0x5d: {  	_ =	shalt  }
0x5e: {  	_ =	shalt  }
0x5f: {  	_ =	shalt  }
0x60: {  	_ =	shalt  }
0x61: {  	_ =	shalt  }
0x62: {  	_ =	shalt  }
0x63: {  	_ =	shalt  }
0x64: {  	_ =	shalt  }
0x65: {  	_ =	shalt  }
0x66: {  	_ =	shalt  }
0x67: {  	_ =	shalt  }
0x68: {  	_ =	shalt  }
0x69: {  	_ =	shalt  }
0x6a: {  	_ =	shalt  }
0x6b: {  	_ =	shalt  }
0x6c: {  	_ =	shalt  }
0x6d: {  	_ =	shalt  }
0x6e: {  	_ =	shalt  }
0x6f: {  	_ =	shalt  }
0x70: {  	_ =	shalt  }
0x71: {  	_ =	shalt  }
0x72: {  	_ =	shalt  }
0x73: {  	_ =	shalt  }
0x74: {  	_ =	shalt  }
0x75: {  	_ =	shalt  }
0x76: {  	_ =	shalt  }
0x77: {  	_ =	shalt  }
0x78: {  	_ =	shalt  }
0x79: {  	_ =	shalt  }
0x7a: {  	_ =	shalt  }
0x7b: {  	_ =	shalt  }
0x7c: {  	_ =	shalt  }
0x7d: {  	_ =	shalt  }
0x7e: {  	_ =	shalt  }
0x7f: {  	_ =	shalt  }
0x80: {  	_ =	shalt  }
0x81: {  	_ =	shalt  }
0x82: {  	_ =	shalt  }
0x83: {  	_ =	shalt  }
0x84: {  	_ =	shalt  }
0x85: {  	_ =	shalt  }
0x86: {  	_ =	shalt  }
0x87: {  	_ =	shalt  }
.Lfunc_end0:
.L_simem_size_0:
called_computation_lowered:
.L_overlay_start_0:
0x88: {  	s2 =	sld [smem:$0x3FD9]  }
0x89: {  	s3 =	sld [smem:$0x3FFE];
	_ =	sdelay $0x1  }
0x8a: {  	s1 =	srdreg.scid  }
0x8b: {  	s0 =	sand.u32 $0x1, s1  }
0x8c: {  	s17 =	sshll.u32 s0, $0xA;
	s2 =	sadd.s32 s3, s2  }
0x8d: {  	s2 =	sadd.s32 s2, s17  }
0x8e: {  	[smem:$0x3FC4] =	sst s2  }
0x8f: {  	_ = 	snop  }
0x90: {  	s2 =	sld [smem:$0x3FD0];
	(tm) =	ssettm $0x1  }
0x91: {  	s18 =	sld [smem:$0x3FFB];
	_ =	sdelay $0x3  }
0x92: {  	_ =	strace s18  }
0x93: {  	s3 =	sld [smem:$0x3FFC];
	_ =	sdelay $0x3  }
0x94: {  	_ =	strace s3  }
0x95: {  	s3 =	sld [smem:$0x3FFD];
	_ =	sdelay $0x3  }
0x96: {  	_ =	strace s3  }
0x97: {  	_ =	strace $0x8FFFFFFF  }
0x98: {  	s19 =	sld [smem:$0x3FDB];
	_ =	sdelay $0x1  }
0x99: {  	s4 =	simm.s32 $_scs_section_size  }
0x9a: {  	s5 =	simm.s32 $_size__tile_overlayer_lowered;
	s6 =	simm.s32 $_tile_overlayer_lowered  }
0x9b: {  	s22 =	simm.s32 $0x1BFF;
	s21 =	sshll.u32 s6, $0x1;
	s3 =	sadd.s32 s4, s19  }
0x9c: {  	s7 =	simm.s32 $0x0;
	s20 =	sshll.u32 s5, $0x1;
	s5 =	sadd.s32 s21, s3  }
0x9d: {  	[timem:s7], [sflag:s22] =	dma.local [hbm:s5], s20  }
0x9e: {  	_ =	swait.ge [sflag:s22], s20  }
0x9f: {  	s4 =	ssub.s32 $0x0, s20;
	[sflag:s22] =	ssyncset.done $0x0  }
0xa0: {  	[sflag:s22] =	ssyncadd.s32 s4;
	_ =	sdelay $0x1  }
0xa1: {  	s23 =	simm.s32 $0x1B8B  }
0xa2: {  	_ =	swait.ge [sflag:s23], $0x1  }
0xa3: {  	[sflag:s23] =	ssyncset.done $0x0  }
0xa4: {  	s25 =	simm.s32 $0x1B8E;
	s24 =	sld [smem:$0x3FFE];
	[sflag:s23] =	ssyncadd.s32 $0xFFFFFFFF  }
0xa5: {  	s26 =	simm.s32 $execute0_lowered;
	[smem:$0x3FD2] =	sst s25  }
0xa6: {  	s5 =	sshll.u32 s26, $0x1;
	_ =	strace $0x80000046;
	[dreg:$0x1] =	wrdreg $0xFFFFFFFF  }
0xa7: {  	s28 =	simm.s32 $_size_execute0_lowered;
	s3 =	sadd.s32 s3, s5;
	[dreg:$0x0] =	wrdreg $0x0  }
0xa8: {  	s5 =	sshll.u32 s28, $0x1;
	[dreg:$0x2] =	wrdreg s3  }
0xa9: {  	[dreg:$0x3] =	wrdreg s5  }
0xaa: {  	[dreg:$0x4] =	wrdreg $0xC0  }
0xab: {  	_ =	task [dreg:s7], $0x5FFFF  }
0xac: {  	[dreg:$0x1] =	wrdreg $0xFFFFFFFF  }
0xad: {  	[dreg:$0x0] =	wrdreg $0x60  }
0xae: {  	[dreg:$0x2] =	wrdreg s24  }
0xaf: {  	[dreg:$0x3] =	wrdreg s2  }
0xb0: {  	[dreg:$0x4] =	wrdreg $0x9  }
0xb1: {  	_ =	task.clear_ibuf [dreg:s7], $0x5FFFF;
	_ =	strace $0x90000046  }
0xb2: {  	s29 =	simm.s32 $0x9;
	_ =	strace $0x80000048  }
0xb3: {  	_ =	swait.ge [sflag:s29], $0x1  }
0xb4: {  	[sflag:s29] =	ssyncadd.s32 $0xFFFFFFFF  }
0xb5: {  	_ =	strace $0x90000048  }
0xb6: {  	_ =	sfence  }
0xb7: {  	s30 =	sld [smem:$0x0];
	_ =	sdelay $0x2  }
0xb8: {  	s31 =	sshll.u32 s1, $0xD;
	s1 =	sshrl.u32 s1, $0x2  }
0xb9: {  	s3 =	sand.u32 $0x4000, s31;
	s1 =	sadd.s32 s1, s30  }
0xba: {  	s0 =	sor.u32 s3, s0;
	s1 =	sshll.u32 s1, $0x11  }
0xbb: {  	s0 =	sor.u32 s1, s0  }
0xbc: {  	s0 =	sadd.s32 $0x8F2B, s0  }
0xbd: {  	[sflag:s0] =	ssyncadd.remote.s32 $0x1  }
0xbe: {  	_ =	sfence.sel $0xFFFF  }
0xbf: {  	[dreg:$0x0] =	wrdreg $0xFFFFFFFF;
	(pc) =	sbr.abs _section_cstart, $3  }
0xc0: {  	[dreg:$0x1] =	wrdreg $0xFFFFFFFF  }
0xc1: {  	_ =	task.clear_ibuf [dreg:s7], $0x2FFFF;
	_ =	strace $0x9FFFFFFF  }
0xc2: {  	(tm) =	ssettm $0x7FFFFFFF  }
0xc3: {  	_ =	shalt  }
tec
execute0_lowered:
.L_overlay_start_1:
0x0: {  	(tag) =	ssettag $0x1  }
0x1: {  	s6 =	rddreg [dreg:$0x0]  }
0x2: {  	s2 =	rddreg [dreg:$0x1]  }
0x3: {  	s0 =	rddreg [dreg:$0x2];
	s3 =	simm.s32 $0x0;
	s4 =	srdreg.scid  }
0x4: {  	s1 =	stileid.u32;
	s12 =	simm.s32 $0x2;
	s13 =	simm.s32 $0x340  }
0x5: {  	s14 =	simm.s32 $0x1;
	s15 =	simm.s32 $0x3940;
	s16 =	simm.s32 $0x0  }
0x6: {  	[smem:$0x7FF] =	sst s3;
	s5 =	sand.u32 $0x1, s4;
	s30 =	sshll.u32 s1, $0x1  }
0x7: {  	s4 =	sadd.s32 $0xA00, s6;
	_ =	strace $0x80000047;
	s9 =	sor.u32 s5, s30  }
0x8: {  	s8 =	ssub.s32 $0x2, s5;
	s5 =	sadd.s32 $0x15A00, s6;
	s7 =	sshll.u32 s9, $0xA  }
0x9: {  	s31 =	sshrl.u32 s8, $0x1;
	s10 =	sadd.s32 s7, s6;
	s6 =	sadd.s32 $0x27ACE00, s6  }
0xa: {  	s11 =	ssub.s32 s8, s31;
	s7 =	sshll.u32 s9, $0x4;
	s9 =	sshll.u32 s9, $0x6  }
0xb: {  	vm0 =	vmmov $0xffff;
	s8 =	sadd.s32 $0xDA00, s10;
	s10 =	smax.u32 s11, $0x1;
	s11 =	simm.s32 $0x8940  }
.LBB2_1:
0xc: {  	[tilespmem:s11], [sflag:$0x2] =	stream.linear.gather [hbm4b:s5+s3], $0x350, $0x38;
	[tilespmem:$0x8C90] =	vst v63  }
0xd: {  	_ =	swait.ge [sflag:s12], $0x350  }
0xe: {  	[sflag:s12] =	ssyncset.done $0x0  }
0xf: {  	s17 =	simm.s32 $0x0;
	[sflag:s12] =	ssyncadd.s32 $0xFFFFFCB0  }
.LBB2_2:
0x10: {  	s18 =	sadd.s32 s7, s17  }
0x11: {  	s18 =	smul.u32 $0x68, s18;
	_ =	sdelay $0x1  }
0x12: {  	s19 =	sadd.s32 s4, s18;
	s18 =	simm.s32 $0x0  }
0x13: {  	[tilespmem:s18], [sflag:$0x2] =	stream.linear.gather [hbm4b:s19+s18], $0x340, $0x38;
	[tilespmem:$0x8C90] =	vst v63  }
0x14: {  	_ =	swait.ge [sflag:s12], $0x340  }
0x15: {  	s31 =	sshll.u32 s17, $0x6;
	[sflag:s12] =	ssyncset.done $0x0  }
0x16: {  	s19 =	sadd.s32 s31, s8;
	[sflag:s12] =	ssyncadd.s32 $0xFFFFFCC0  }
0x17: {  	[tilespmem:s13], [sflag:$0x2] =	stream.linear.gather [hbm4b:s19+s18], $0x200, $0x38;
	[tilespmem:$0x8C90] =	vst v63  }
0x18: {  	_ =	swait.ge [sflag:s12], $0x200  }
0x19: {  	[sflag:s12] =	ssyncset.done $0x0  }
0x1a: {  	s19 =	simm.s32 $0x540;
	[sflag:s12] =	ssyncadd.s32 $0xFFFFFE00  }
.LBB2_3:
0x1b: {  	s20 =	sshra.s32 s18, $0x2  }
0x1c: {  	v0 =	vld [tilespmem:s20+$0x0];
	_ =	sdelay $0x7  }
0x1d: {  	[tilespmem:s19], [sflag:$0x1] =	stream.indirect_vreg.gather [hbm4b:s6+s3], $0x10, v0, vm0, $0xb8;
	[tilespmem:$0x8C90] =	vst v63  }
0x1e: {  	v0 =	vld [tilespmem:s20+$0x10];
	_ =	sdelay $0x6  }
0x1f: {  	s21 =	sadd.s32 $0x100, s19  }
0x20: {  	[tilespmem:s21], [sflag:$0x1] =	stream.indirect_vreg.gather [hbm4b:s6+s3], $0x10, v0, vm0, $0xb8;
	[tilespmem:$0x8C90] =	vst v63  }
0x21: {  	v0 =	vld [tilespmem:s20+$0x20];
	_ =	sdelay $0x6  }
0x22: {  	s30 =	sadd.s32 $0x200, s19  }
0x23: {  	[tilespmem:s30], [sflag:$0x1] =	stream.indirect_vreg.gather [hbm4b:s6+s3], $0x10, v0, vm0, $0xb8;
	[tilespmem:$0x8C90] =	vst v63  }
0x24: {  	v0 =	vld [tilespmem:s20+$0x30];
	_ =	sdelay $0x2  }
0x25: {  	p0 =	sne.s32 s18, $0xC00  }
.Ltmp0:
0x26: {  	_ = 	snop;
	(pc) =	sbr.rel @p0 .LBB2_3-.Ltmp0, $3  }
0x27: {  	_ =	sdelay $0x1  }
0x28: {  	s31 =	sadd.s32 $0x300, s19;
	s18 =	sadd.s32 $0x100, s18;
	s19 =	sadd.s32 $0x400, s19  }
0x29: {  	[tilespmem:s31], [sflag:$0x1] =	stream.indirect_vreg.gather [hbm4b:s6+s3], $0x10, v0, vm0, $0xb8;
	[tilespmem:$0x8C90] =	vst v63  }
0x2a: {  	s18 =	simm.s32 $0x34  }
.LBB2_5:
0x2b: {  	p0 =	sne.s32 s18, $0x1  }
.Ltmp1:
0x2c: {  	_ = 	snop;
	(pc) =	sbr.rel @p0 .LBB2_5-.Ltmp1, $4  }
0x2d: {  	_ = 	snop  }
0x2e: {  	_ =	swait.ge [sflag:s14], $0x100  }
0x2f: {  	[sflag:s14] =	ssyncset.done $0x0  }
0x30: {  	s18 =	sadd.s32 $0xFFFFFFFF, s18;
	[sflag:s14] =	ssyncadd.s32 $0xFFFFFF00  }
0x31: {  	s18 =	simm.s32 $0x0  }
0x32: {  	s19 =	simm.s32 $0x340;
	s20 =	simm.s32 $0x610;
	s21 =	simm.s32 $0x0  }
.LBB2_7:
0x33: {  	s22 =	sshrl.u32 s21, $0x3;
	v0 =	vld [tilespmem:$0x8940]  }
0x34: {  	s22 =	smul.u32 $0x5000, s22;
	_ =	sdelay $0x1  }
0x35: {  	s23 =	sand.u32 $0x380, s18;
	s22 =	sshra.s32 s22, $0x2  }
0x36: {  	s22 =	sor.u32 s23, s22  }
0x37: {  	[tilespmem:s22+$0x3940] =	vst v0  }
0x38: {  	v0 =	vld [tilespmem:s19+$0x0];
	_ =	sdelay $0x1  }
0x39: {  	v1 =	vld [tilespmem:$0x8950];
	_ =	sdelay $0x1  }
0x3a: {  	v2 =	vld [tilespmem:$0x8A20]  }
0x3b: {  	v3 =	vbroadcast v0, $0x0;
	_ =	sdelay $0x1  }
0x3c: {  	v1 =	vmul.f32 v3, v1;
	_ =	sdelay $0x1  }
0x3d: {  	v1 =	vadd.f32 v2, v1;
	_ =	sdelay $0x1  }
0x3e: {  	[tilespmem:s22+$0x3950] =	vst v1  }
0x3f: {  	v1 =	vld [tilespmem:$0x8960];
	_ =	sdelay $0x1  }
0x40: {  	v15 =	vld [tilespmem:$0x8A30]  }
0x41: {  	v16 =	vbroadcast v0, $0x1;
	_ =	sdelay $0x1  }
0x42: {  	v1 =	vmul.f32 v1, v16;
	_ =	sdelay $0x1  }
0x43: {  	v1 =	vadd.f32 v15, v1;
	_ =	sdelay $0x1  }
0x44: {  	[tilespmem:s22+$0x3960] =	vst v1  }
0x45: {  	v1 =	vld [tilespmem:$0x8970];
	_ =	sdelay $0x1  }
0x46: {  	v17 =	vld [tilespmem:$0x8A40]  }
0x47: {  	v18 =	vbroadcast v0, $0x2;
	_ =	sdelay $0x1  }
0x48: {  	v1 =	vmul.f32 v1, v18;
	_ =	sdelay $0x1  }
0x49: {  	v1 =	vadd.f32 v17, v1;
	_ =	sdelay $0x1  }
0x4a: {  	[tilespmem:s22+$0x3970] =	vst v1  }
0x4b: {  	v1 =	vld [tilespmem:$0x8980];
	_ =	sdelay $0x1  }
0x4c: {  	v19 =	vld [tilespmem:$0x8A50]  }
0x4d: {  	v20 =	vbroadcast v0, $0x3;
	_ =	sdelay $0x1  }
0x4e: {  	v1 =	vmul.f32 v1, v20;
	_ =	sdelay $0x1  }
0x4f: {  	v1 =	vadd.f32 v19, v1;
	_ =	sdelay $0x1  }
0x50: {  	[tilespmem:s22+$0x3980] =	vst v1  }
0x51: {  	v1 =	vld [tilespmem:$0x8990];
	_ =	sdelay $0x1  }
0x52: {  	v21 =	vld [tilespmem:$0x8A60]  }
0x53: {  	v22 =	vbroadcast v0, $0x4;
	_ =	sdelay $0x1  }
0x54: {  	v1 =	vmul.f32 v1, v22;
	_ =	sdelay $0x1  }
0x55: {  	v1 =	vadd.f32 v21, v1;
	_ =	sdelay $0x1  }
0x56: {  	[tilespmem:s22+$0x3990] =	vst v1  }
0x57: {  	v1 =	vld [tilespmem:$0x89A0];
	_ =	sdelay $0x1  }
0x58: {  	v23 =	vld [tilespmem:$0x8A70]  }
0x59: {  	v24 =	vbroadcast v0, $0x5;
	_ =	sdelay $0x1  }
0x5a: {  	v1 =	vmul.f32 v1, v24;
	_ =	sdelay $0x1  }
0x5b: {  	v1 =	vadd.f32 v23, v1;
	_ =	sdelay $0x1  }
0x5c: {  	[tilespmem:s22+$0x39A0] =	vst v1  }
0x5d: {  	v1 =	vld [tilespmem:$0x89B0];
	_ =	sdelay $0x1  }
0x5e: {  	v25 =	vld [tilespmem:$0x8A80]  }
0x5f: {  	v26 =	vbroadcast v0, $0x6;
	_ =	sdelay $0x1  }
0x60: {  	v1 =	vmul.f32 v1, v26;
	_ =	sdelay $0x1  }
0x61: {  	v1 =	vadd.f32 v25, v1;
	_ =	sdelay $0x1  }
0x62: {  	[tilespmem:s22+$0x39B0] =	vst v1  }
0x63: {  	v1 =	vld [tilespmem:$0x89C0];
	_ =	sdelay $0x1  }
0x64: {  	v27 =	vld [tilespmem:$0x8A90]  }
0x65: {  	v28 =	vbroadcast v0, $0x7;
	_ =	sdelay $0x1  }
0x66: {  	v1 =	vmul.f32 v1, v28;
	_ =	sdelay $0x1  }
0x67: {  	v1 =	vadd.f32 v27, v1;
	_ =	sdelay $0x1  }
0x68: {  	[tilespmem:s22+$0x3D40] =	vst v1  }
0x69: {  	v1 =	vld [tilespmem:$0x89D0];
	_ =	sdelay $0x1  }
0x6a: {  	v29 =	vld [tilespmem:$0x8AA0]  }
0x6b: {  	v30 =	vbroadcast v0, $0x8;
	_ =	sdelay $0x1  }
0x6c: {  	v1 =	vmul.f32 v1, v30;
	_ =	sdelay $0x1  }
0x6d: {  	v1 =	vadd.f32 v29, v1;
	_ =	sdelay $0x1  }
0x6e: {  	[tilespmem:s22+$0x3D50] =	vst v1  }
0x6f: {  	v1 =	vld [tilespmem:$0x89E0];
	_ =	sdelay $0x1  }
0x70: {  	v31 =	vld [tilespmem:$0x8AB0]  }
0x71: {  	v32 =	vbroadcast v0, $0x9;
	_ =	sdelay $0x1  }
0x72: {  	v1 =	vmul.f32 v1, v32;
	_ =	sdelay $0x1  }
0x73: {  	v1 =	vadd.f32 v31, v1;
	_ =	sdelay $0x1  }
0x74: {  	[tilespmem:s22+$0x3D60] =	vst v1  }
0x75: {  	v1 =	vld [tilespmem:$0x89F0];
	_ =	sdelay $0x1  }
0x76: {  	v33 =	vld [tilespmem:$0x8AC0]  }
0x77: {  	v34 =	vbroadcast v0, $0xA;
	_ =	sdelay $0x1  }
0x78: {  	v1 =	vmul.f32 v1, v34;
	_ =	sdelay $0x1  }
0x79: {  	v1 =	vadd.f32 v33, v1;
	_ =	sdelay $0x1  }
0x7a: {  	[tilespmem:s22+$0x3D70] =	vst v1  }
0x7b: {  	v1 =	vld [tilespmem:$0x8A00];
	_ =	sdelay $0x1  }
0x7c: {  	v35 =	vld [tilespmem:$0x8AD0]  }
0x7d: {  	v36 =	vbroadcast v0, $0xB;
	_ =	sdelay $0x1  }
0x7e: {  	v1 =	vmul.f32 v1, v36;
	_ =	sdelay $0x1  }
0x7f: {  	v1 =	vadd.f32 v35, v1;
	_ =	sdelay $0x1  }
0x80: {  	[tilespmem:s22+$0x3D80] =	vst v1  }
0x81: {  	v1 =	vld [tilespmem:$0x8A10];
	_ =	sdelay $0x1  }
0x82: {  	v37 =	vld [tilespmem:$0x8AE0]  }
0x83: {  	v0 =	vbroadcast v0, $0xC;
	_ =	sdelay $0x1  }
0x84: {  	v0 =	vmul.f32 v1, v0;
	_ =	sdelay $0x1  }
0x85: {  	v0 =	vadd.f32 v37, v0;
	_ =	sdelay $0x1  }
0x86: {  	[tilespmem:s22+$0x3D90] =	vst v0  }
0x87: {  	v0 =	vld [tilespmem:s20+$0xFFFFFF30]  }
0x88: {  	v38 =	vld [tilespmem:$0x8AF0];
	_ =	sdelay $0x4  }
0x89: {  	v0 =	vadd.f32 v38, v0;
	_ =	sdelay $0x1  }
0x8a: {  	[tilespmem:s22+$0x3DA0] =	vst v0  }
0x8b: {  	v0 =	vld [tilespmem:s20+$0xFFFFFF40]  }
0x8c: {  	v39 =	vld [tilespmem:$0x8B00];
	_ =	sdelay $0x4  }
0x8d: {  	v0 =	vadd.f32 v39, v0;
	_ =	sdelay $0x1  }
0x8e: {  	[tilespmem:s22+$0x3DB0] =	vst v0  }
0x8f: {  	v0 =	vld [tilespmem:s20+$0xFFFFFF50]  }
0x90: {  	v40 =	vld [tilespmem:$0x8B10];
	_ =	sdelay $0x4  }
0x91: {  	v0 =	vadd.f32 v40, v0;
	_ =	sdelay $0x1  }
0x92: {  	[tilespmem:s22+$0x4140] =	vst v0  }
0x93: {  	v0 =	vld [tilespmem:s20+$0xFFFFFF60]  }
0x94: {  	v41 =	vld [tilespmem:$0x8B20];
	_ =	sdelay $0x4  }
0x95: {  	v0 =	vadd.f32 v41, v0;
	_ =	sdelay $0x1  }
0x96: {  	[tilespmem:s22+$0x4150] =	vst v0  }
0x97: {  	v0 =	vld [tilespmem:s20+$0xFFFFFF70]  }
0x98: {  	v42 =	vld [tilespmem:$0x8B30];
	_ =	sdelay $0x4  }
0x99: {  	v0 =	vadd.f32 v42, v0;
	_ =	sdelay $0x1  }
0x9a: {  	[tilespmem:s22+$0x4160] =	vst v0  }
0x9b: {  	v0 =	vld [tilespmem:s20+$0xFFFFFF80]  }
0x9c: {  	v43 =	vld [tilespmem:$0x8B40];
	_ =	sdelay $0x4  }
0x9d: {  	v0 =	vadd.f32 v43, v0;
	_ =	sdelay $0x1  }
0x9e: {  	[tilespmem:s22+$0x4170] =	vst v0  }
0x9f: {  	v0 =	vld [tilespmem:s20+$0xFFFFFF90]  }
0xa0: {  	v44 =	vld [tilespmem:$0x8B50];
	_ =	sdelay $0x4  }
0xa1: {  	v0 =	vadd.f32 v44, v0;
	_ =	sdelay $0x1  }
0xa2: {  	[tilespmem:s22+$0x4180] =	vst v0  }
0xa3: {  	v0 =	vld [tilespmem:s20+$0xFFFFFFA0]  }
0xa4: {  	v45 =	vld [tilespmem:$0x8B60];
	_ =	sdelay $0x4  }
0xa5: {  	v0 =	vadd.f32 v45, v0;
	_ =	sdelay $0x1  }
0xa6: {  	[tilespmem:s22+$0x4190] =	vst v0  }
0xa7: {  	v0 =	vld [tilespmem:s20+$0xFFFFFFB0]  }
0xa8: {  	v46 =	vld [tilespmem:$0x8B70];
	_ =	sdelay $0x4  }
0xa9: {  	v0 =	vadd.f32 v46, v0;
	_ =	sdelay $0x1  }
0xaa: {  	[tilespmem:s22+$0x41A0] =	vst v0  }
0xab: {  	v0 =	vld [tilespmem:s20+$0xFFFFFFC0]  }
0xac: {  	v47 =	vld [tilespmem:$0x8B80];
	_ =	sdelay $0x4  }
0xad: {  	v0 =	vadd.f32 v47, v0;
	_ =	sdelay $0x1  }
0xae: {  	[tilespmem:s22+$0x41B0] =	vst v0  }
0xaf: {  	v0 =	vld [tilespmem:s20+$0xFFFFFFD0]  }
0xb0: {  	v48 =	vld [tilespmem:$0x8B90];
	_ =	sdelay $0x4  }
0xb1: {  	v0 =	vadd.f32 v48, v0;
	_ =	sdelay $0x1  }
0xb2: {  	[tilespmem:s22+$0x4540] =	vst v0  }
0xb3: {  	v0 =	vld [tilespmem:s20+$0xFFFFFFE0]  }
0xb4: {  	v49 =	vld [tilespmem:$0x8BA0];
	_ =	sdelay $0x4  }
0xb5: {  	v0 =	vadd.f32 v49, v0;
	_ =	sdelay $0x1  }
0xb6: {  	[tilespmem:s22+$0x4550] =	vst v0  }
0xb7: {  	v0 =	vld [tilespmem:s20+$0xFFFFFFF0]  }
0xb8: {  	v50 =	vld [tilespmem:$0x8BB0];
	_ =	sdelay $0x4  }
0xb9: {  	v0 =	vadd.f32 v50, v0;
	_ =	sdelay $0x1  }
0xba: {  	[tilespmem:s22+$0x4560] =	vst v0  }
0xbb: {  	v0 =	vld [tilespmem:s20+$0x0]  }
0xbc: {  	v51 =	vld [tilespmem:$0x8BC0];
	_ =	sdelay $0x4  }
0xbd: {  	v0 =	vadd.f32 v51, v0;
	_ =	sdelay $0x1  }
0xbe: {  	[tilespmem:s22+$0x4570] =	vst v0  }
0xbf: {  	v0 =	vld [tilespmem:s20+$0x10]  }
0xc0: {  	v52 =	vld [tilespmem:$0x8BD0];
	_ =	sdelay $0x4  }
0xc1: {  	v0 =	vadd.f32 v52, v0;
	_ =	sdelay $0x1  }
0xc2: {  	[tilespmem:s22+$0x4580] =	vst v0  }
0xc3: {  	v0 =	vld [tilespmem:s20+$0x20]  }
0xc4: {  	v53 =	vld [tilespmem:$0x8BE0];
	_ =	sdelay $0x4  }
0xc5: {  	v0 =	vadd.f32 v53, v0;
	_ =	sdelay $0x1  }
0xc6: {  	[tilespmem:s22+$0x4590] =	vst v0  }
0xc7: {  	v0 =	vld [tilespmem:s20+$0x30]  }
0xc8: {  	v54 =	vld [tilespmem:$0x8BF0];
	_ =	sdelay $0x4  }
0xc9: {  	v0 =	vadd.f32 v54, v0;
	_ =	sdelay $0x1  }
0xca: {  	[tilespmem:s22+$0x45A0] =	vst v0  }
0xcb: {  	v0 =	vld [tilespmem:s20+$0x40]  }
0xcc: {  	v55 =	vld [tilespmem:$0x8C00];
	_ =	sdelay $0x4  }
0xcd: {  	v0 =	vadd.f32 v55, v0;
	_ =	sdelay $0x1  }
0xce: {  	[tilespmem:s22+$0x45B0] =	vst v0  }
0xcf: {  	v0 =	vld [tilespmem:s20+$0x50]  }
0xd0: {  	v56 =	vld [tilespmem:$0x8C10];
	_ =	sdelay $0x4  }
0xd1: {  	v0 =	vadd.f32 v56, v0;
	_ =	sdelay $0x1  }
0xd2: {  	[tilespmem:s22+$0x4940] =	vst v0  }
0xd3: {  	v0 =	vld [tilespmem:s20+$0x60]  }
0xd4: {  	v57 =	vld [tilespmem:$0x8C20];
	_ =	sdelay $0x4  }
0xd5: {  	v0 =	vadd.f32 v57, v0;
	_ =	sdelay $0x1  }
0xd6: {  	[tilespmem:s22+$0x4950] =	vst v0  }
0xd7: {  	v0 =	vld [tilespmem:s20+$0x70]  }
0xd8: {  	v58 =	vld [tilespmem:$0x8C30];
	_ =	sdelay $0x4  }
0xd9: {  	v0 =	vadd.f32 v58, v0;
	_ =	sdelay $0x1  }
0xda: {  	[tilespmem:s22+$0x4960] =	vst v0  }
0xdb: {  	v0 =	vld [tilespmem:s20+$0x80]  }
0xdc: {  	v59 =	vld [tilespmem:$0x8C40];
	_ =	sdelay $0x4  }
0xdd: {  	v0 =	vadd.f32 v59, v0;
	_ =	sdelay $0x1  }
0xde: {  	[tilespmem:s22+$0x4970] =	vst v0  }
0xdf: {  	v0 =	vld [tilespmem:s20+$0x90]  }
0xe0: {  	v60 =	vld [tilespmem:$0x8C50];
	_ =	sdelay $0x4  }
0xe1: {  	v0 =	vadd.f32 v60, v0;
	_ =	sdelay $0x1  }
0xe2: {  	[tilespmem:s22+$0x4980] =	vst v0  }
0xe3: {  	v0 =	vld [tilespmem:s20+$0xA0]  }
0xe4: {  	v61 =	vld [tilespmem:$0x8C60];
	_ =	sdelay $0x4  }
0xe5: {  	v0 =	vadd.f32 v61, v0;
	_ =	sdelay $0x1  }
0xe6: {  	[tilespmem:s22+$0x4990] =	vst v0  }
0xe7: {  	v0 =	vld [tilespmem:s20+$0xB0]  }
0xe8: {  	v62 =	vld [tilespmem:$0x8C70];
	_ =	sdelay $0x4  }
0xe9: {  	v0 =	vadd.f32 v62, v0;
	_ =	sdelay $0x1  }
0xea: {  	[tilespmem:s22+$0x49A0] =	vst v0  }
0xeb: {  	v0 =	vld [tilespmem:s20+$0xC0]  }
0xec: {  	v63 =	vld [tilespmem:$0x8C80];
	_ =	sdelay $0x1  }
0xed: {  	p0 =	sne.s32 s21, $0x1F  }
.Ltmp2:
0xee: {  	_ = 	snop;
	(pc) =	sbr.rel @p0 .LBB2_7-.Ltmp2, $4  }
0xef: {  	_ = 	snop  }
0xf0: {  	v0 =	vadd.f32 v63, v0  }
0xf1: {  	s18 =	sadd.s32 $0x80, s18  }
0xf2: {  	s21 =	sadd.s32 $0x1, s21;
	s19 =	sadd.s32 $0x10, s19;
	s20 =	sadd.s32 $0x1A0, s20;
	[tilespmem:s22+$0x49B0] =	vst v0  }
0xf3: {  	s18 =	sshll.u32 s17, $0x2  }
0xf4: {  	s18 =	sadd.s32 s9, s18  }
0xf5: {  	s17 =	sadd.s32 $0x1, s17;
	s18 =	smul.u32 $0x280, s18  }
0xf6: {  	p0 =	sne.s32 s17, $0x10  }
.Ltmp3:
0xf7: {  	s18 =	sadd.s32 s2, s18;
	(pc) =	sbr.rel @p0 .LBB2_2-.Ltmp3, $4  }
0xf8: {  	[hbm4b:s18+s3] =	stream.linear.scatter [tilespmem:s15], [sflag:$0x2], $0x5000, $0x38;
	[tilespmem:$0x8C90] =	vst v63  }
0xf9: {  	_ =	swait.ge [sflag:s12], $0x5000  }
0xfa: {  	[sflag:s12] =	ssyncset.done $0x0  }
0xfb: {  	[sflag:s12] =	ssyncadd.s32 $0xFFFFB000  }
0xfc: {  	s16 =	sadd.s32 $0x1, s16  }
0xfd: {  	p0 =	sne.s32 s16, s10  }
.Ltmp4:
0xfe: {  	_ = 	snop;
	(pc) =	sbr.rel @p0 .LBB2_1-.Ltmp4, $1  }
0xff: {  	_ =	sdelay $0x3  }
0x100: {  	_ =	sfence.sel $0x180000  }
0x101: {  	[bflag:$0x0] =	sbarrier.arrive $0xFFFF  }
0x102: {  	p0 =	sne.s32 s1, $0x0;
	_ =	strace $0x90000047  }
0x103: {  	s0 =	sadd.s32 @!p0 $0x100000, s0;
	[bflag:$0x2] =	sbarrier.arrive $0xFFFF  }
0x104: {  	[sflag:s0] =	ssyncadd.tile.s32 @!p0 $0x1;
	_ =	shalt  }
.Lfunc_end2:
_tile_overlayer_lowered:
.L_overlay_start_2:
0x105: {  	(tag) =	ssettag $0x2  }
0x106: {  	s0 =	rddreg [dreg:$0x0];
	s2 =	stileid.u32  }
0x107: {  	s1 =	rddreg [dreg:$0x1];
	p0 =	sne.s32 s2, $0x0  }
0x108: {  	s3 =	rddreg [dreg:$0x2];
	[bflag:$0x3] =	sbarrier.arrive $0xFFFF;
	s2 =	simm.s32 @!p0 $0x1C02  }
0x109: {  	[timem:s3], [sflag:s2] =	dma.local @!p0 [hbm:s0], s1  }
0x10a: {  	s0 =	simm.s32 @!p0 $0x2  }
0x10b: {  	_ =	swait.ge @!p0 [sflag:s0], s1  }
0x10c: {  	s1 =	ssub.s32 @!p0 $0x0, s1;
	[sflag:s0] =	ssyncset.done @!p0 $0x0  }
0x10d: {  	[sflag:s0] =	ssyncadd.s32 @!p0 s1  }
0x10e: {  	[bflag:$0x3] =	sbarrier.arrive $0xFFFF  }
0x10f: {  	_ =	shalt  }

</sc_bundles>
